<compile_context>
chip_gen: v7x
topology: tpu7x:2x2x1
jax: 0.10.2.dev20260603
libtpu: 0.0.44.dev20260713+nightly
codegen_flags: <defaults>
</compile_context>

<pallas_src>
import functools

import jax
import jax.numpy as jnp
from jax import lax
from jax.experimental import pallas as pl
from jax.experimental.pallas import tpu as pltpu
from jax.experimental.pallas import tpu_sc as plsc

N_NODES = 10000
N_EDGES = 320000
D = 128

NC = 2
NS = 16
NW = NC * NS
CS = 120
CPW = 84
NGB = 3
NIB = 6
UNROLL = 6
TOT_CHUNKS = NW * CPW
E_PAD = TOT_CHUNKS * CS
N_PAD = 10112
STRIPE = N_PAD // NS


def _sc_aggregate(x_pad, idxp, zrows):
    mesh = plsc.VectorSubcoreMesh(core_axis_name="c", subcore_axis_name="s",
                                  num_cores=NC, num_subcores=NS)

    @functools.partial(
        pl.kernel,
        out_type=jax.ShapeDtypeStruct((NC, N_PAD, D), jnp.float32),
        mesh=mesh,
        scratch_types=(
            [pltpu.VMEM((2, CS), jnp.int32) for _ in range(NIB)]
            + [pltpu.VMEM((CS, D), jnp.float32) for _ in range(NGB)]
            + [pltpu.SemaphoreType.DMA] * (NIB + 2 * NGB + 1)
            + [pltpu.VMEM_SHARED((N_PAD, D), jnp.float32)]
        ),
    )
    def agg_kernel(x_hbm, idx_hbm, z_hbm, out_hbm, *scr):
        ibufs = scr[:NIB]
        gbufs = scr[NIB:NIB + NGB]
        isems = scr[NIB + NGB:2 * NIB + NGB]
        gsems = scr[2 * NIB + NGB:2 * NIB + 2 * NGB]
        ssems = scr[2 * NIB + 2 * NGB:2 * NIB + 3 * NGB]
        nsem = scr[2 * NIB + 3 * NGB]
        acc = scr[2 * NIB + 3 * NGB + 1]
        c = lax.axis_index("c")
        s = lax.axis_index("s")
        base = s * STRIPE
        cbase = (c * NS + s) * CPW
        def gather_chunk(ib, gb, sem):
            pltpu.async_copy(x_hbm.at[ib.at[0]], gb, sem)

        def gather_wait(ib, gb, sem):
            pltpu.make_async_copy(x_hbm.at[ib.at[0]], gb, sem).wait()

        def scatter_chunk(ib, gb, sem):
            pltpu.async_copy(gb, acc.at[ib.at[1]], sem, add=True)

        def scatter_wait(ib, gb, sem):
            pltpu.make_async_copy(gb, acc.at[ib.at[1]], sem).wait()

        @pl.when(c == 0)
        def _():
            pltpu.async_copy(x_hbm.at[pl.ds(base, STRIPE)],
                             acc.at[pl.ds(base, STRIPE)], nsem)

        @pl.when(c != 0)
        def _():
            pltpu.async_copy(z_hbm, acc.at[pl.ds(base, STRIPE)], nsem)

        for k in range(4):
            pltpu.async_copy(idx_hbm.at[cbase + k], ibufs[k], isems[k])
        pltpu.make_async_copy(idx_hbm.at[cbase], ibufs[0], isems[0]).wait()
        gather_chunk(ibufs[0], gbufs[0], gsems[0])

        pltpu.make_async_copy(z_hbm, acc.at[pl.ds(base, STRIPE)],
                              nsem).wait()
        plsc.subcore_barrier()

        def group(i, carry):
            for u in range(UNROLL):
                j = i * UNROLL + u
                b0 = u % NGB
                b1 = (u + 1) % NGB
                i0 = u % NIB
                i1 = (u + 1) % NIB
                i4 = (u + 4) % NIB

                @pl.when(j >= 2)
                def _():
                    scatter_wait(ibufs[i4], gbufs[b1], ssems[b1])

                @pl.when(j + 4 < CPW)
                def _():
                    pltpu.async_copy(
                        idx_hbm.at[cbase + j + 4], ibufs[i4], isems[i4])

                @pl.when(j + 1 < CPW)
                def _():
                    pltpu.make_async_copy(
                        idx_hbm.at[cbase + j + 1], ibufs[i1], isems[i1]).wait()
                    gather_chunk(ibufs[i1], gbufs[b1], gsems[b1])

                gather_wait(ibufs[i0], gbufs[b0], gsems[b0])
                scatter_chunk(ibufs[i0], gbufs[b0], ssems[b0])
            return carry

        lax.fori_loop(0, CPW // UNROLL, group, 0)

        scatter_wait(ibufs[(CPW - 2) % NIB], gbufs[(CPW - 2) % NGB],
                     ssems[(CPW - 2) % NGB])
        scatter_wait(ibufs[(CPW - 1) % NIB], gbufs[(CPW - 1) % NGB],
                     ssems[(CPW - 1) % NGB])

        plsc.subcore_barrier()

        pltpu.sync_copy(acc.at[pl.ds(base, STRIPE)],
                        out_hbm.at[c, pl.ds(base, STRIPE)])

    return agg_kernel(x_pad, idxp, zrows)


def _mm_block(a0_ref, a1_ref, w_ref, b_ref, o_ref):
    s = a0_ref[0] + a1_ref[0]
    o_ref[...] = (jnp.dot(s, w_ref[...], preferred_element_type=jnp.float32)
                  + b_ref[...])


def _final_linear(parts, W, b):
    blk = 2000
    grid = (N_NODES // blk,)
    return pl.pallas_call(
        _mm_block,
        grid=grid,
        in_specs=[
            pl.BlockSpec((1, blk, D), lambda i: (0, i, 0)),
            pl.BlockSpec((1, blk, D), lambda i: (1, i, 0)),
            pl.BlockSpec((D, D), lambda i: (0, 0)),
            pl.BlockSpec((1, D), lambda i: (0, 0)),
        ],
        out_specs=pl.BlockSpec((blk, D), lambda i: (i, 0)),
        out_shape=jax.ShapeDtypeStruct((N_NODES, D), jnp.float32),
    )(parts, parts, W, b.reshape(1, D))


def kernel(x, edge_index, W, b):
    row = edge_index[0].astype(jnp.int32)
    col = edge_index[1].astype(jnp.int32)
    pad = E_PAD - N_EDGES
    colp = jnp.concatenate([col, jnp.zeros((pad,), jnp.int32)]
                           ).reshape(TOT_CHUNKS, 1, CS)
    dummy = N_NODES + (jnp.arange(pad, dtype=jnp.int32) % (N_PAD - N_NODES))
    rowp = jnp.concatenate([row, dummy]).reshape(TOT_CHUNKS, 1, CS)
    idxp = jnp.concatenate([colp, rowp], axis=1)
    x_pad = jnp.concatenate(
        [x, jnp.zeros((N_PAD - N_NODES, D), jnp.float32)])
    zrows = jnp.zeros((STRIPE, D), jnp.float32)
    parts = _sc_aggregate(x_pad, idxp, zrows)
    return _final_linear(parts, W, b)

# --- scband reference (transcript-rebuilt; emitter-appended) ---
"""Pipeline reference for scband-gpnconv-81080392614287 (READ-ONLY COPY).

The authoritative reference and input builder live on the scoring server;
editing this copy changes nothing except your own understanding.
"""

import jax, jax.numpy as jnp
import numpy as np

N_NODES = 10000
N_EDGES = 320000
D_FEAT = 128
HIDDEN = 32
GATES = 4
D_OUT = HIDDEN * GATES  # 128


def setup_inputs(seed: int = 0) -> dict:
    key = jax.random.key(seed)
    k1, k2, k3, k4 = jax.random.split(key, 4)
    x = jax.random.normal(k1, (N_NODES, D_FEAT), dtype=jnp.float32)
    edge_index = jax.random.randint(k2, (2, N_EDGES), 0, N_NODES, dtype=jnp.int64)
    # Linear(input_size=128, hidden_size*gates_num=128) params
    bound = 1.0 / np.sqrt(D_FEAT)
    W = jax.random.uniform(k3, (D_FEAT, D_OUT), minval=-bound, maxval=bound, dtype=jnp.float32)
    b = jax.random.uniform(k4, (D_OUT,), minval=-bound, maxval=bound, dtype=jnp.float32)
    return {"x": x, "edge_index": edge_index, "W": W, "b": b}


def reference(x, edge_index, W, b):
    row = edge_index[0]
    col = edge_index[1]
    # scatter_add(x[col], row, dim=0, dim_size=N)
    gathered = jnp.take(x, col, axis=0)
    agg = jnp.zeros_like(x).at[row].add(gathered)
    out = x + agg
    out = out @ W + b
    return out

if __name__ == "__main__":
    import jax
    _d = setup_inputs()
    print(jax.jit(kernel)(*tuple(_d.values())))

</pallas_src>

<mosaic_0001>
#map = affine_map<(d0, d1) -> (0, 0)>
#map1 = affine_map<(d0, d1) -> (0, 0, 0)>
module attributes {stable_mosaic.version = 14 : i64} {
  func.func @agg_kernel(%arg0: i32, %arg1: i32, %arg2: memref<10112x128xf32, #tpu.memory_space<hbm>>, %arg3: memref<2688x2x120xi32, #tpu.memory_space<hbm>>, %arg4: memref<632x128xf32, #tpu.memory_space<hbm>>, %arg5: memref<2x10112x128xf32, #tpu.memory_space<hbm>>, %arg6: memref<2x120xi32, #tpu.memory_space<vmem>>, %arg7: memref<2x120xi32, #tpu.memory_space<vmem>>, %arg8: memref<2x120xi32, #tpu.memory_space<vmem>>, %arg9: memref<2x120xi32, #tpu.memory_space<vmem>>, %arg10: memref<2x120xi32, #tpu.memory_space<vmem>>, %arg11: memref<2x120xi32, #tpu.memory_space<vmem>>, %arg12: memref<120x128xf32, #tpu.memory_space<vmem>>, %arg13: memref<120x128xf32, #tpu.memory_space<vmem>>, %arg14: memref<120x128xf32, #tpu.memory_space<vmem>>, %arg15: memref<!tpu.dma_semaphore, #tpu.memory_space<semaphore_mem>>, %arg16: memref<!tpu.dma_semaphore, #tpu.memory_space<semaphore_mem>>, %arg17: memref<!tpu.dma_semaphore, #tpu.memory_space<semaphore_mem>>, %arg18: memref<!tpu.dma_semaphore, #tpu.memory_space<semaphore_mem>>, %arg19: memref<!tpu.dma_semaphore, #tpu.memory_space<semaphore_mem>>, %arg20: memref<!tpu.dma_semaphore, #tpu.memory_space<semaphore_mem>>, %arg21: memref<!tpu.dma_semaphore, #tpu.memory_space<semaphore_mem>>, %arg22: memref<!tpu.dma_semaphore, #tpu.memory_space<semaphore_mem>>, %arg23: memref<!tpu.dma_semaphore, #tpu.memory_space<semaphore_mem>>, %arg24: memref<!tpu.dma_semaphore, #tpu.memory_space<semaphore_mem>>, %arg25: memref<!tpu.dma_semaphore, #tpu.memory_space<semaphore_mem>>, %arg26: memref<!tpu.dma_semaphore, #tpu.memory_space<semaphore_mem>>, %arg27: memref<!tpu.dma_semaphore, #tpu.memory_space<semaphore_mem>>, %arg28: memref<10112x128xf32, #tpu.memory_space<vmem_shared>>) attributes {dimension_semantics = [#tpu.dimension_semantics<core_parallel>, #tpu.dimension_semantics<subcore_parallel>], iteration_bounds = array<i64: 2, 16>, scalar_prefetch = 0 : i64, scratch_operands = 23 : i64, tpu.core_type = #tpu.core_type<sc_vector_subcore>, window_params = [{transform_indices = #map}, {transform_indices = #map1}, {transform_indices = #map}, {transform_indices = #map1}]} {
    %mul3A = arith.constant 632 : i32
    %mul3A_0 = arith.muli %arg1, %mul3A : i32
    %mul3A_1 = arith.constant 16 : i32
    %mul3A_2 = arith.muli %arg0, %mul3A_1 : i32
    %add3A = arith.addi %mul3A_2, %arg1 : i32
    %mul3A_3 = arith.constant 84 : i32
    %mul3A_4 = arith.muli %add3A, %mul3A_3 : i32
    %eq3A = arith.constant 0 : i32
    %eq3A_5 = arith.cmpi eq, %arg0, %eq3A : i32
    %convert_element_type3A = arith.extui %eq3A_5 : i1 to i32
    %cond3A = arith.constant 0 : i32
    %cond3A_6 = arith.cmpi ne, %convert_element_type3A, %cond3A : i32
    scf.if %cond3A_6 {
      %dma_start3A_86 = arith.constant 0 : i32
      %dma_start3A_87 = tpu.memref_slice %arg28[%mul3A_0, %dma_start3A_86] : memref<10112x128xf32, #tpu.memory_space<vmem_shared>> -> memref<632x128xf32, #tpu.memory_space<vmem_shared>>
      %dma_start3A_88 = arith.constant 0 : i32
      %dma_start3A_89 = tpu.memref_slice %arg2[%mul3A_0, %dma_start3A_88] : memref<10112x128xf32, #tpu.memory_space<hbm>> -> memref<632x128xf32, #tpu.memory_space<hbm>>
      tpu.enqueue_dma source(%dma_start3A_89 : memref<632x128xf32, #tpu.memory_space<hbm>>) target(%dma_start3A_87 : memref<632x128xf32, #tpu.memory_space<vmem_shared>>) target_semaphore(%arg27 : memref<!tpu.dma_semaphore, #tpu.memory_space<semaphore_mem>>)
    } else {
    }
    %ne3A = arith.constant 0 : i32
    %ne3A_7 = arith.cmpi ne, %arg0, %ne3A : i32
    %convert_element_type3A_8 = arith.extui %ne3A_7 : i1 to i32
    %cond3A_9 = arith.constant 0 : i32
    %cond3A_10 = arith.cmpi ne, %convert_element_type3A_8, %cond3A_9 : i32
    scf.if %cond3A_10 {
      %dma_start3A_86 = arith.constant 0 : i32
      %dma_start3A_87 = tpu.memref_slice %arg28[%mul3A_0, %dma_start3A_86] : memref<10112x128xf32, #tpu.memory_space<vmem_shared>> -> memref<632x128xf32, #tpu.memory_space<vmem_shared>>
      tpu.enqueue_dma source(%arg4 : memref<632x128xf32, #tpu.memory_space<hbm>>) target(%dma_start3A_87 : memref<632x128xf32, #tpu.memory_space<vmem_shared>>) target_semaphore(%arg27 : memref<!tpu.dma_semaphore, #tpu.memory_space<semaphore_mem>>)
    } else {
    }
    %add3A_11 = arith.constant 0 : i32
    %add3A_12 = arith.addi %mul3A_4, %add3A_11 : i32
    %dma_start3A = arith.constant 0 : i32
    %dma_start3A_13 = arith.constant 0 : i32
    %dma_start3A_14 = tpu.memref_slice %arg3[%add3A_12, %dma_start3A, %dma_start3A_13] : memref<2688x2x120xi32, #tpu.memory_space<hbm>> -> memref<1x2x120xi32, #tpu.memory_space<hbm>>
    %dma_start3A_15 = tpu.memref_squeeze %dma_start3A_14 : memref<1x2x120xi32, #tpu.memory_space<hbm>> -> memref<2x120xi32, #tpu.memory_space<hbm>>
    %dma_start3A_16 = arith.constant 0 : i32
    %dma_start3A_17 = arith.constant 0 : i32
    %dma_start3A_18 = tpu.memref_slice %arg3[%add3A_12, %dma_start3A_16, %dma_start3A_17] : memref<2688x2x120xi32, #tpu.memory_space<hbm>> -> memref<1x2x120xi32, #tpu.memory_space<hbm>>
    %dma_start3A_19 = tpu.memref_squeeze %dma_start3A_18 : memref<1x2x120xi32, #tpu.memory_space<hbm>> -> memref<2x120xi32, #tpu.memory_space<hbm>>
    tpu.enqueue_dma source(%dma_start3A_19 : memref<2x120xi32, #tpu.memory_space<hbm>>) target(%arg6 : memref<2x120xi32, #tpu.memory_space<vmem>>) target_semaphore(%arg15 : memref<!tpu.dma_semaphore, #tpu.memory_space<semaphore_mem>>)
    %add3A_20 = arith.constant 1 : i32
    %add3A_21 = arith.addi %mul3A_4, %add3A_20 : i32
    %dma_start3A_22 = arith.constant 0 : i32
    %dma_start3A_23 = arith.constant 0 : i32
    %dma_start3A_24 = tpu.memref_slice %arg3[%add3A_21, %dma_start3A_22, %dma_start3A_23] : memref<2688x2x120xi32, #tpu.memory_space<hbm>> -> memref<1x2x120xi32, #tpu.memory_space<hbm>>
    %dma_start3A_25 = tpu.memref_squeeze %dma_start3A_24 : memref<1x2x120xi32, #tpu.memory_space<hbm>> -> memref<2x120xi32, #tpu.memory_space<hbm>>
    %dma_start3A_26 = arith.constant 0 : i32
    %dma_start3A_27 = arith.constant 0 : i32
    %dma_start3A_28 = tpu.memref_slice %arg3[%add3A_21, %dma_start3A_26, %dma_start3A_27] : memref<2688x2x120xi32, #tpu.memory_space<hbm>> -> memref<1x2x120xi32, #tpu.memory_space<hbm>>
    %dma_start3A_29 = tpu.memref_squeeze %dma_start3A_28 : memref<1x2x120xi32, #tpu.memory_space<hbm>> -> memref<2x120xi32, #tpu.memory_space<hbm>>
    tpu.enqueue_dma source(%dma_start3A_29 : memref<2x120xi32, #tpu.memory_space<hbm>>) target(%arg7 : memref<2x120xi32, #tpu.memory_space<vmem>>) target_semaphore(%arg16 : memref<!tpu.dma_semaphore, #tpu.memory_space<semaphore_mem>>)
    %add3A_30 = arith.constant 2 : i32
    %add3A_31 = arith.addi %mul3A_4, %add3A_30 : i32
    %dma_start3A_32 = arith.constant 0 : i32
    %dma_start3A_33 = arith.constant 0 : i32
    %dma_start3A_34 = tpu.memref_slice %arg3[%add3A_31, %dma_start3A_32, %dma_start3A_33] : memref<2688x2x120xi32, #tpu.memory_space<hbm>> -> memref<1x2x120xi32, #tpu.memory_space<hbm>>
    %dma_start3A_35 = tpu.memref_squeeze %dma_start3A_34 : memref<1x2x120xi32, #tpu.memory_space<hbm>> -> memref<2x120xi32, #tpu.memory_space<hbm>>
    %dma_start3A_36 = arith.constant 0 : i32
    %dma_start3A_37 = arith.constant 0 : i32
    %dma_start3A_38 = tpu.memref_slice %arg3[%add3A_31, %dma_start3A_36, %dma_start3A_37] : memref<2688x2x120xi32, #tpu.memory_space<hbm>> -> memref<1x2x120xi32, #tpu.memory_space<hbm>>
    %dma_start3A_39 = tpu.memref_squeeze %dma_start3A_38 : memref<1x2x120xi32, #tpu.memory_space<hbm>> -> memref<2x120xi32, #tpu.memory_space<hbm>>
    tpu.enqueue_dma source(%dma_start3A_39 : memref<2x120xi32, #tpu.memory_space<hbm>>) target(%arg8 : memref<2x120xi32, #tpu.memory_space<vmem>>) target_semaphore(%arg17 : memref<!tpu.dma_semaphore, #tpu.memory_space<semaphore_mem>>)
    %add3A_40 = arith.constant 3 : i32
    %add3A_41 = arith.addi %mul3A_4, %add3A_40 : i32
    %dma_start3A_42 = arith.constant 0 : i32
    %dma_start3A_43 = arith.constant 0 : i32
    %dma_start3A_44 = tpu.memref_slice %arg3[%add3A_41, %dma_start3A_42, %dma_start3A_43] : memref<2688x2x120xi32, #tpu.memory_space<hbm>> -> memref<1x2x120xi32, #tpu.memory_space<hbm>>
    %dma_start3A_45 = tpu.memref_squeeze %dma_start3A_44 : memref<1x2x120xi32, #tpu.memory_space<hbm>> -> memref<2x120xi32, #tpu.memory_space<hbm>>
    %dma_start3A_46 = arith.constant 0 : i32
    %dma_start3A_47 = arith.constant 0 : i32
    %dma_start3A_48 = tpu.memref_slice %arg3[%add3A_41, %dma_start3A_46, %dma_start3A_47] : memref<2688x2x120xi32, #tpu.memory_space<hbm>> -> memref<1x2x120xi32, #tpu.memory_space<hbm>>
    %dma_start3A_49 = tpu.memref_squeeze %dma_start3A_48 : memref<1x2x120xi32, #tpu.memory_space<hbm>> -> memref<2x120xi32, #tpu.memory_space<hbm>>
    tpu.enqueue_dma source(%dma_start3A_49 : memref<2x120xi32, #tpu.memory_space<hbm>>) target(%arg9 : memref<2x120xi32, #tpu.memory_space<vmem>>) target_semaphore(%arg18 : memref<!tpu.dma_semaphore, #tpu.memory_space<semaphore_mem>>)
    %dma_wait3A = arith.constant 0 : i32
    %dma_wait3A_50 = arith.constant 0 : i32
    %dma_wait3A_51 = tpu.memref_slice %arg3[%mul3A_4, %dma_wait3A, %dma_wait3A_50] : memref<2688x2x120xi32, #tpu.memory_space<hbm>> -> memref<1x2x120xi32, #tpu.memory_space<hbm>>
    %dma_wait3A_52 = tpu.memref_squeeze %dma_wait3A_51 : memref<1x2x120xi32, #tpu.memory_space<hbm>> -> memref<2x120xi32, #tpu.memory_space<hbm>>
    %dma_wait3A_53 = arith.constant 0 : i32
    %dma_wait3A_54 = arith.constant 0 : i32
    %dma_wait3A_55 = tpu.memref_slice %arg3[%mul3A_4, %dma_wait3A_53, %dma_wait3A_54] : memref<2688x2x120xi32, #tpu.memory_space<hbm>> -> memref<1x2x120xi32, #tpu.memory_space<hbm>>
    %dma_wait3A_56 = tpu.memref_squeeze %dma_wait3A_55 : memref<1x2x120xi32, #tpu.memory_space<hbm>> -> memref<2x120xi32, #tpu.memory_space<hbm>>
    tpu.wait_dma2 semaphore(%arg15 : memref<!tpu.dma_semaphore, #tpu.memory_space<semaphore_mem>>) src(%dma_wait3A_56 : memref<2x120xi32, #tpu.memory_space<hbm>>) dst(%arg6 : memref<2x120xi32, #tpu.memory_space<vmem>>)
    %dma_start3A_57 = arith.constant 0 : i32
    %dma_start3A_58 = arith.constant 0 : i32
    %dma_start3A_59 = tpu.memref_slice %arg6[%dma_start3A_57, %dma_start3A_58] : memref<2x120xi32, #tpu.memory_space<vmem>> -> memref<1x120xi32, #tpu.memory_space<vmem>>
    %dma_start3A_60 = tpu.memref_squeeze %dma_start3A_59 : memref<1x120xi32, #tpu.memory_space<vmem>> -> memref<120xi32, #tpu.memory_space<vmem>>
    %dma_start3A_61 = arith.constant 0 : i32
    %dma_start3A_62 = arith.constant 0 : i32
    %dma_start3A_63 = tpu.memref_slice %arg2[%dma_start3A_61, %dma_start3A_62] : memref<10112x128xf32, #tpu.memory_space<hbm>> -> memref<10112x128xf32, #tpu.memory_space<hbm>>
    tpu.enqueue_indirect_dma source(%dma_start3A_63 : memref<10112x128xf32, #tpu.memory_space<hbm>>) target(%arg12 : memref<120x128xf32, #tpu.memory_space<vmem>>) offsets(%dma_start3A_60 : memref<120xi32, #tpu.memory_space<vmem>>) semaphore(%arg21 : memref<!tpu.dma_semaphore, #tpu.memory_space<semaphore_mem>>)
    %dma_wait3A_64 = arith.constant 0 : i32
    %dma_wait3A_65 = tpu.memref_slice %arg28[%mul3A_0, %dma_wait3A_64] : memref<10112x128xf32, #tpu.memory_space<vmem_shared>> -> memref<632x128xf32, #tpu.memory_space<vmem_shared>>
    tpu.wait_dma2 semaphore(%arg27 : memref<!tpu.dma_semaphore, #tpu.memory_space<semaphore_mem>>) src(%arg4 : memref<632x128xf32, #tpu.memory_space<hbm>>) dst(%dma_wait3A_65 : memref<632x128xf32, #tpu.memory_space<vmem_shared>>)
    %barrier3A = arith.constant 0 : index
    tpu.barrier barrier_id(%barrier3A)
    %scan3A = arith.constant 0 : i32
    %scan3A_66 = arith.constant 0 : i32
    %scan3A_67 = arith.constant 14 : i32
    %scan3A_68 = arith.addi %scan3A_66, %scan3A_67 : i32
    %scan3A_69 = arith.constant 1 : i32
    scf.for %scan3A_86 = %scan3A_66 to %scan3A_68 step %scan3A_69  : i32 {
      %mul3A_87 = arith.constant 6 : i32
      %mul3A_88 = arith.muli %scan3A_86, %mul3A_87 : i32
      %add3A_89 = arith.constant 0 : i32
      %add3A_90 = arith.addi %mul3A_88, %add3A_89 : i32
      %ge3A = arith.constant 2 : i32
      %ge3A_91 = arith.cmpi sge, %add3A_90, %ge3A : i32
      %convert_element_type3A_92 = arith.extui %ge3A_91 : i1 to i32
      %cond3A_93 = arith.constant 0 : i32
      %cond3A_94 = arith.cmpi ne, %convert_element_type3A_92, %cond3A_93 : i32
      scf.if %cond3A_94 {
        %dma_wait3A_307 = arith.constant 1 : i32
        %dma_wait3A_308 = arith.constant 0 : i32
        %dma_wait3A_309 = tpu.memref_slice %arg10[%dma_wait3A_307, %dma_wait3A_308] : memref<2x120xi32, #tpu.memory_space<vmem>> -> memref<1x120xi32, #tpu.memory_space<vmem>>
        %dma_wait3A_310 = tpu.memref_squeeze %dma_wait3A_309 : memref<1x120xi32, #tpu.memory_space<vmem>> -> memref<120xi32, #tpu.memory_space<vmem>>
        %dma_wait3A_311 = arith.constant 0 : i32
        %dma_wait3A_312 = arith.constant 0 : i32
        %dma_wait3A_313 = tpu.memref_slice %arg28[%dma_wait3A_311, %dma_wait3A_312] : memref<10112x128xf32, #tpu.memory_space<vmem_shared>> -> memref<10112x128xf32, #tpu.memory_space<vmem_shared>>
        tpu.wait_indirect_dma semaphore(%arg25 : memref<!tpu.dma_semaphore, #tpu.memory_space<semaphore_mem>>) src(%arg13 : memref<120x128xf32, #tpu.memory_space<vmem>>) dst(%dma_wait3A_313 : memref<10112x128xf32, #tpu.memory_space<vmem_shared>>)
      } else {
      }
      %add3A_95 = arith.constant 4 : i32
      %add3A_96 = arith.addi %add3A_90, %add3A_95 : i32
      %lt3A = arith.constant 84 : i32
      %lt3A_97 = arith.cmpi slt, %add3A_96, %lt3A : i32
      %convert_element_type3A_98 = arith.extui %lt3A_97 : i1 to i32
      %cond3A_99 = arith.constant 0 : i32
      %cond3A_100 = arith.cmpi ne, %convert_element_type3A_98, %cond3A_99 : i32
      scf.if %cond3A_100 {
        %add3A_307 = arith.addi %mul3A_4, %add3A_90 : i32
        %add3A_308 = arith.constant 4 : i32
        %add3A_309 = arith.addi %add3A_307, %add3A_308 : i32
        %dma_start3A_310 = arith.constant 0 : i32
        %dma_start3A_311 = arith.constant 0 : i32
        %dma_start3A_312 = tpu.memref_slice %arg3[%add3A_309, %dma_start3A_310, %dma_start3A_311] : memref<2688x2x120xi32, #tpu.memory_space<hbm>> -> memref<1x2x120xi32, #tpu.memory_space<hbm>>
        %dma_start3A_313 = tpu.memref_squeeze %dma_start3A_312 : memref<1x2x120xi32, #tpu.memory_space<hbm>> -> memref<2x120xi32, #tpu.memory_space<hbm>>
        %dma_start3A_314 = arith.constant 0 : i32
        %dma_start3A_315 = arith.constant 0 : i32
        %dma_start3A_316 = tpu.memref_slice %arg3[%add3A_309, %dma_start3A_314, %dma_start3A_315] : memref<2688x2x120xi32, #tpu.memory_space<hbm>> -> memref<1x2x120xi32, #tpu.memory_space<hbm>>
        %dma_start3A_317 = tpu.memref_squeeze %dma_start3A_316 : memref<1x2x120xi32, #tpu.memory_space<hbm>> -> memref<2x120xi32, #tpu.memory_space<hbm>>
        tpu.enqueue_dma source(%dma_start3A_317 : memref<2x120xi32, #tpu.memory_space<hbm>>) target(%arg10 : memref<2x120xi32, #tpu.memory_space<vmem>>) target_semaphore(%arg19 : memref<!tpu.dma_semaphore, #tpu.memory_space<semaphore_mem>>)
      } else {
      }
      %add3A_101 = arith.constant 1 : i32
      %add3A_102 = arith.addi %add3A_90, %add3A_101 : i32
      %lt3A_103 = arith.constant 84 : i32
      %lt3A_104 = arith.cmpi slt, %add3A_102, %lt3A_103 : i32
      %convert_element_type3A_105 = arith.extui %lt3A_104 : i1 to i32
      %cond3A_106 = arith.constant 0 : i32
      %cond3A_107 = arith.cmpi ne, %convert_element_type3A_105, %cond3A_106 : i32
      scf.if %cond3A_107 {
        %add3A_307 = arith.addi %mul3A_4, %add3A_90 : i32
        %add3A_308 = arith.constant 1 : i32
        %add3A_309 = arith.addi %add3A_307, %add3A_308 : i32
        %dma_wait3A_310 = arith.constant 0 : i32
        %dma_wait3A_311 = arith.constant 0 : i32
        %dma_wait3A_312 = tpu.memref_slice %arg3[%add3A_309, %dma_wait3A_310, %dma_wait3A_311] : memref<2688x2x120xi32, #tpu.memory_space<hbm>> -> memref<1x2x120xi32, #tpu.memory_space<hbm>>
        %dma_wait3A_313 = tpu.memref_squeeze %dma_wait3A_312 : memref<1x2x120xi32, #tpu.memory_space<hbm>> -> memref<2x120xi32, #tpu.memory_space<hbm>>
        %dma_wait3A_314 = arith.constant 0 : i32
        %dma_wait3A_315 = arith.constant 0 : i32
        %dma_wait3A_316 = tpu.memref_slice %arg3[%add3A_309, %dma_wait3A_314, %dma_wait3A_315] : memref<2688x2x120xi32, #tpu.memory_space<hbm>> -> memref<1x2x120xi32, #tpu.memory_space<hbm>>
        %dma_wait3A_317 = tpu.memref_squeeze %dma_wait3A_316 : memref<1x2x120xi32, #tpu.memory_space<hbm>> -> memref<2x120xi32, #tpu.memory_space<hbm>>
        tpu.wait_dma2 semaphore(%arg16 : memref<!tpu.dma_semaphore, #tpu.memory_space<semaphore_mem>>) src(%dma_wait3A_317 : memref<2x120xi32, #tpu.memory_space<hbm>>) dst(%arg7 : memref<2x120xi32, #tpu.memory_space<vmem>>)
        %dma_start3A_318 = arith.constant 0 : i32
        %dma_start3A_319 = arith.constant 0 : i32
        %dma_start3A_320 = tpu.memref_slice %arg7[%dma_start3A_318, %dma_start3A_319] : memref<2x120xi32, #tpu.memory_space<vmem>> -> memref<1x120xi32, #tpu.memory_space<vmem>>
        %dma_start3A_321 = tpu.memref_squeeze %dma_start3A_320 : memref<1x120xi32, #tpu.memory_space<vmem>> -> memref<120xi32, #tpu.memory_space<vmem>>
        %dma_start3A_322 = arith.constant 0 : i32
        %dma_start3A_323 = arith.constant 0 : i32
        %dma_start3A_324 = tpu.memref_slice %arg2[%dma_start3A_322, %dma_start3A_323] : memref<10112x128xf32, #tpu.memory_space<hbm>> -> memref<10112x128xf32, #tpu.memory_space<hbm>>
        tpu.enqueue_indirect_dma source(%dma_start3A_324 : memref<10112x128xf32, #tpu.memory_space<hbm>>) target(%arg13 : memref<120x128xf32, #tpu.memory_space<vmem>>) offsets(%dma_start3A_321 : memref<120xi32, #tpu.memory_space<vmem>>) semaphore(%arg22 : memref<!tpu.dma_semaphore, #tpu.memory_space<semaphore_mem>>)
      } else {
      }
      %dma_wait3A_108 = arith.constant 0 : i32
      %dma_wait3A_109 = arith.constant 0 : i32
      %dma_wait3A_110 = tpu.memref_slice %arg6[%dma_wait3A_108, %dma_wait3A_109] : memref<2x120xi32, #tpu.memory_space<vmem>> -> memref<1x120xi32, #tpu.memory_space<vmem>>
      %dma_wait3A_111 = tpu.memref_squeeze %dma_wait3A_110 : memref<1x120xi32, #tpu.memory_space<vmem>> -> memref<120xi32, #tpu.memory_space<vmem>>
      %dma_wait3A_112 = arith.constant 0 : i32
      %dma_wait3A_113 = arith.constant 0 : i32
      %dma_wait3A_114 = tpu.memref_slice %arg2[%dma_wait3A_112, %dma_wait3A_113] : memref<10112x128xf32, #tpu.memory_space<hbm>> -> memref<10112x128xf32, #tpu.memory_space<hbm>>
      tpu.wait_indirect_dma semaphore(%arg21 : memref<!tpu.dma_semaphore, #tpu.memory_space<semaphore_mem>>) src(%dma_wait3A_114 : memref<10112x128xf32, #tpu.memory_space<hbm>>) dst(%arg12 : memref<120x128xf32, #tpu.memory_space<vmem>>)
      %dma_start3A_115 = arith.constant 1 : i32
      %dma_start3A_116 = arith.constant 0 : i32
      %dma_start3A_117 = tpu.memref_slice %arg6[%dma_start3A_115, %dma_start3A_116] : memref<2x120xi32, #tpu.memory_space<vmem>> -> memref<1x120xi32, #tpu.memory_space<vmem>>
      %dma_start3A_118 = tpu.memref_squeeze %dma_start3A_117 : memref<1x120xi32, #tpu.memory_space<vmem>> -> memref<120xi32, #tpu.memory_space<vmem>>
      %dma_start3A_119 = arith.constant 0 : i32
      %dma_start3A_120 = arith.constant 0 : i32
      %dma_start3A_121 = tpu.memref_slice %arg28[%dma_start3A_119, %dma_start3A_120] : memref<10112x128xf32, #tpu.memory_space<vmem_shared>> -> memref<10112x128xf32, #tpu.memory_space<vmem_shared>>
      tpu.enqueue_indirect_dma source(%arg12 : memref<120x128xf32, #tpu.memory_space<vmem>>) target(%dma_start3A_121 : memref<10112x128xf32, #tpu.memory_space<vmem_shared>>) offsets(%dma_start3A_118 : memref<120xi32, #tpu.memory_space<vmem>>) semaphore(%arg24 : memref<!tpu.dma_semaphore, #tpu.memory_space<semaphore_mem>>) {add = true}
      %mul3A_122 = arith.constant 6 : i32
      %mul3A_123 = arith.muli %scan3A_86, %mul3A_122 : i32
      %add3A_124 = arith.constant 1 : i32
      %add3A_125 = arith.addi %mul3A_123, %add3A_124 : i32
      %ge3A_126 = arith.constant 2 : i32
      %ge3A_127 = arith.cmpi sge, %add3A_125, %ge3A_126 : i32
      %convert_element_type3A_128 = arith.extui %ge3A_127 : i1 to i32
      %cond3A_129 = arith.constant 0 : i32
      %cond3A_130 = arith.cmpi ne, %convert_element_type3A_128, %cond3A_129 : i32
      scf.if %cond3A_130 {
        %dma_wait3A_307 = arith.constant 1 : i32
        %dma_wait3A_308 = arith.constant 0 : i32
        %dma_wait3A_309 = tpu.memref_slice %arg11[%dma_wait3A_307, %dma_wait3A_308] : memref<2x120xi32, #tpu.memory_space<vmem>> -> memref<1x120xi32, #tpu.memory_space<vmem>>
        %dma_wait3A_310 = tpu.memref_squeeze %dma_wait3A_309 : memref<1x120xi32, #tpu.memory_space<vmem>> -> memref<120xi32, #tpu.memory_space<vmem>>
        %dma_wait3A_311 = arith.constant 0 : i32
        %dma_wait3A_312 = arith.constant 0 : i32
        %dma_wait3A_313 = tpu.memref_slice %arg28[%dma_wait3A_311, %dma_wait3A_312] : memref<10112x128xf32, #tpu.memory_space<vmem_shared>> -> memref<10112x128xf32, #tpu.memory_space<vmem_shared>>
        tpu.wait_indirect_dma semaphore(%arg26 : memref<!tpu.dma_semaphore, #tpu.memory_space<semaphore_mem>>) src(%arg14 : memref<120x128xf32, #tpu.memory_space<vmem>>) dst(%dma_wait3A_313 : memref<10112x128xf32, #tpu.memory_space<vmem_shared>>)
      } else {
      }
      %add3A_131 = arith.constant 4 : i32
      %add3A_132 = arith.addi %add3A_125, %add3A_131 : i32
      %lt3A_133 = arith.constant 84 : i32
      %lt3A_134 = arith.cmpi slt, %add3A_132, %lt3A_133 : i32
      %convert_element_type3A_135 = arith.extui %lt3A_134 : i1 to i32
      %cond3A_136 = arith.constant 0 : i32
      %cond3A_137 = arith.cmpi ne, %convert_element_type3A_135, %cond3A_136 : i32
      scf.if %cond3A_137 {
        %add3A_307 = arith.addi %mul3A_4, %add3A_125 : i32
        %add3A_308 = arith.constant 4 : i32
        %add3A_309 = arith.addi %add3A_307, %add3A_308 : i32
        %dma_start3A_310 = arith.constant 0 : i32
        %dma_start3A_311 = arith.constant 0 : i32
        %dma_start3A_312 = tpu.memref_slice %arg3[%add3A_309, %dma_start3A_310, %dma_start3A_311] : memref<2688x2x120xi32, #tpu.memory_space<hbm>> -> memref<1x2x120xi32, #tpu.memory_space<hbm>>
        %dma_start3A_313 = tpu.memref_squeeze %dma_start3A_312 : memref<1x2x120xi32, #tpu.memory_space<hbm>> -> memref<2x120xi32, #tpu.memory_space<hbm>>
        %dma_start3A_314 = arith.constant 0 : i32
        %dma_start3A_315 = arith.constant 0 : i32
        %dma_start3A_316 = tpu.memref_slice %arg3[%add3A_309, %dma_start3A_314, %dma_start3A_315] : memref<2688x2x120xi32, #tpu.memory_space<hbm>> -> memref<1x2x120xi32, #tpu.memory_space<hbm>>
        %dma_start3A_317 = tpu.memref_squeeze %dma_start3A_316 : memref<1x2x120xi32, #tpu.memory_space<hbm>> -> memref<2x120xi32, #tpu.memory_space<hbm>>
        tpu.enqueue_dma source(%dma_start3A_317 : memref<2x120xi32, #tpu.memory_space<hbm>>) target(%arg11 : memref<2x120xi32, #tpu.memory_space<vmem>>) target_semaphore(%arg20 : memref<!tpu.dma_semaphore, #tpu.memory_space<semaphore_mem>>)
      } else {
      }
      %add3A_138 = arith.constant 1 : i32
      %add3A_139 = arith.addi %add3A_125, %add3A_138 : i32
      %lt3A_140 = arith.constant 84 : i32
      %lt3A_141 = arith.cmpi slt, %add3A_139, %lt3A_140 : i32
      %convert_element_type3A_142 = arith.extui %lt3A_141 : i1 to i32
      %cond3A_143 = arith.constant 0 : i32
      %cond3A_144 = arith.cmpi ne, %convert_element_type3A_142, %cond3A_143 : i32
      scf.if %cond3A_144 {
        %add3A_307 = arith.addi %mul3A_4, %add3A_125 : i32
        %add3A_308 = arith.constant 1 : i32
        %add3A_309 = arith.addi %add3A_307, %add3A_308 : i32
        %dma_wait3A_310 = arith.constant 0 : i32
        %dma_wait3A_311 = arith.constant 0 : i32
        %dma_wait3A_312 = tpu.memref_slice %arg3[%add3A_309, %dma_wait3A_310, %dma_wait3A_311] : memref<2688x2x120xi32, #tpu.memory_space<hbm>> -> memref<1x2x120xi32, #tpu.memory_space<hbm>>
        %dma_wait3A_313 = tpu.memref_squeeze %dma_wait3A_312 : memref<1x2x120xi32, #tpu.memory_space<hbm>> -> memref<2x120xi32, #tpu.memory_space<hbm>>
        %dma_wait3A_314 = arith.constant 0 : i32
        %dma_wait3A_315 = arith.constant 0 : i32
        %dma_wait3A_316 = tpu.memref_slice %arg3[%add3A_309, %dma_wait3A_314, %dma_wait3A_315] : memref<2688x2x120xi32, #tpu.memory_space<hbm>> -> memref<1x2x120xi32, #tpu.memory_space<hbm>>
        %dma_wait3A_317 = tpu.memref_squeeze %dma_wait3A_316 : memref<1x2x120xi32, #tpu.memory_space<hbm>> -> memref<2x120xi32, #tpu.memory_space<hbm>>
        tpu.wait_dma2 semaphore(%arg17 : memref<!tpu.dma_semaphore, #tpu.memory_space<semaphore_mem>>) src(%dma_wait3A_317 : memref<2x120xi32, #tpu.memory_space<hbm>>) dst(%arg8 : memref<2x120xi32, #tpu.memory_space<vmem>>)
        %dma_start3A_318 = arith.constant 0 : i32
        %dma_start3A_319 = arith.constant 0 : i32
        %dma_start3A_320 = tpu.memref_slice %arg8[%dma_start3A_318, %dma_start3A_319] : memref<2x120xi32, #tpu.memory_space<vmem>> -> memref<1x120xi32, #tpu.memory_space<vmem>>
        %dma_start3A_321 = tpu.memref_squeeze %dma_start3A_320 : memref<1x120xi32, #tpu.memory_space<vmem>> -> memref<120xi32, #tpu.memory_space<vmem>>
        %dma_start3A_322 = arith.constant 0 : i32
        %dma_start3A_323 = arith.constant 0 : i32
        %dma_start3A_324 = tpu.memref_slice %arg2[%dma_start3A_322, %dma_start3A_323] : memref<10112x128xf32, #tpu.memory_space<hbm>> -> memref<10112x128xf32, #tpu.memory_space<hbm>>
        tpu.enqueue_indirect_dma source(%dma_start3A_324 : memref<10112x128xf32, #tpu.memory_space<hbm>>) target(%arg14 : memref<120x128xf32, #tpu.memory_space<vmem>>) offsets(%dma_start3A_321 : memref<120xi32, #tpu.memory_space<vmem>>) semaphore(%arg23 : memref<!tpu.dma_semaphore, #tpu.memory_space<semaphore_mem>>)
      } else {
      }
      %dma_wait3A_145 = arith.constant 0 : i32
      %dma_wait3A_146 = arith.constant 0 : i32
      %dma_wait3A_147 = tpu.memref_slice %arg7[%dma_wait3A_145, %dma_wait3A_146] : memref<2x120xi32, #tpu.memory_space<vmem>> -> memref<1x120xi32, #tpu.memory_space<vmem>>
      %dma_wait3A_148 = tpu.memref_squeeze %dma_wait3A_147 : memref<1x120xi32, #tpu.memory_space<vmem>> -> memref<120xi32, #tpu.memory_space<vmem>>
      %dma_wait3A_149 = arith.constant 0 : i32
      %dma_wait3A_150 = arith.constant 0 : i32
      %dma_wait3A_151 = tpu.memref_slice %arg2[%dma_wait3A_149, %dma_wait3A_150] : memref<10112x128xf32, #tpu.memory_space<hbm>> -> memref<10112x128xf32, #tpu.memory_space<hbm>>
      tpu.wait_indirect_dma semaphore(%arg22 : memref<!tpu.dma_semaphore, #tpu.memory_space<semaphore_mem>>) src(%dma_wait3A_151 : memref<10112x128xf32, #tpu.memory_space<hbm>>) dst(%arg13 : memref<120x128xf32, #tpu.memory_space<vmem>>)
      %dma_start3A_152 = arith.constant 1 : i32
      %dma_start3A_153 = arith.constant 0 : i32
      %dma_start3A_154 = tpu.memref_slice %arg7[%dma_start3A_152, %dma_start3A_153] : memref<2x120xi32, #tpu.memory_space<vmem>> -> memref<1x120xi32, #tpu.memory_space<vmem>>
      %dma_start3A_155 = tpu.memref_squeeze %dma_start3A_154 : memref<1x120xi32, #tpu.memory_space<vmem>> -> memref<120xi32, #tpu.memory_space<vmem>>
      %dma_start3A_156 = arith.constant 0 : i32
      %dma_start3A_157 = arith.constant 0 : i32
      %dma_start3A_158 = tpu.memref_slice %arg28[%dma_start3A_156, %dma_start3A_157] : memref<10112x128xf32, #tpu.memory_space<vmem_shared>> -> memref<10112x128xf32, #tpu.memory_space<vmem_shared>>
      tpu.enqueue_indirect_dma source(%arg13 : memref<120x128xf32, #tpu.memory_space<vmem>>) target(%dma_start3A_158 : memref<10112x128xf32, #tpu.memory_space<vmem_shared>>) offsets(%dma_start3A_155 : memref<120xi32, #tpu.memory_space<vmem>>) semaphore(%arg25 : memref<!tpu.dma_semaphore, #tpu.memory_space<semaphore_mem>>) {add = true}
      %mul3A_159 = arith.constant 6 : i32
      %mul3A_160 = arith.muli %scan3A_86, %mul3A_159 : i32
      %add3A_161 = arith.constant 2 : i32
      %add3A_162 = arith.addi %mul3A_160, %add3A_161 : i32
      %ge3A_163 = arith.constant 2 : i32
      %ge3A_164 = arith.cmpi sge, %add3A_162, %ge3A_163 : i32
      %convert_element_type3A_165 = arith.extui %ge3A_164 : i1 to i32
      %cond3A_166 = arith.constant 0 : i32
      %cond3A_167 = arith.cmpi ne, %convert_element_type3A_165, %cond3A_166 : i32
      scf.if %cond3A_167 {
        %dma_wait3A_307 = arith.constant 1 : i32
        %dma_wait3A_308 = arith.constant 0 : i32
        %dma_wait3A_309 = tpu.memref_slice %arg6[%dma_wait3A_307, %dma_wait3A_308] : memref<2x120xi32, #tpu.memory_space<vmem>> -> memref<1x120xi32, #tpu.memory_space<vmem>>
        %dma_wait3A_310 = tpu.memref_squeeze %dma_wait3A_309 : memref<1x120xi32, #tpu.memory_space<vmem>> -> memref<120xi32, #tpu.memory_space<vmem>>
        %dma_wait3A_311 = arith.constant 0 : i32
        %dma_wait3A_312 = arith.constant 0 : i32
        %dma_wait3A_313 = tpu.memref_slice %arg28[%dma_wait3A_311, %dma_wait3A_312] : memref<10112x128xf32, #tpu.memory_space<vmem_shared>> -> memref<10112x128xf32, #tpu.memory_space<vmem_shared>>
        tpu.wait_indirect_dma semaphore(%arg24 : memref<!tpu.dma_semaphore, #tpu.memory_space<semaphore_mem>>) src(%arg12 : memref<120x128xf32, #tpu.memory_space<vmem>>) dst(%dma_wait3A_313 : memref<10112x128xf32, #tpu.memory_space<vmem_shared>>)
      } else {
      }
      %add3A_168 = arith.constant 4 : i32
      %add3A_169 = arith.addi %add3A_162, %add3A_168 : i32
      %lt3A_170 = arith.constant 84 : i32
      %lt3A_171 = arith.cmpi slt, %add3A_169, %lt3A_170 : i32
      %convert_element_type3A_172 = arith.extui %lt3A_171 : i1 to i32
      %cond3A_173 = arith.constant 0 : i32
      %cond3A_174 = arith.cmpi ne, %convert_element_type3A_172, %cond3A_173 : i32
      scf.if %cond3A_174 {
        %add3A_307 = arith.addi %mul3A_4, %add3A_162 : i32
        %add3A_308 = arith.constant 4 : i32
        %add3A_309 = arith.addi %add3A_307, %add3A_308 : i32
        %dma_start3A_310 = arith.constant 0 : i32
        %dma_start3A_311 = arith.constant 0 : i32
        %dma_start3A_312 = tpu.memref_slice %arg3[%add3A_309, %dma_start3A_310, %dma_start3A_311] : memref<2688x2x120xi32, #tpu.memory_space<hbm>> -> memref<1x2x120xi32, #tpu.memory_space<hbm>>
        %dma_start3A_313 = tpu.memref_squeeze %dma_start3A_312 : memref<1x2x120xi32, #tpu.memory_space<hbm>> -> memref<2x120xi32, #tpu.memory_space<hbm>>
        %dma_start3A_314 = arith.constant 0 : i32
        %dma_start3A_315 = arith.constant 0 : i32
        %dma_start3A_316 = tpu.memref_slice %arg3[%add3A_309, %dma_start3A_314, %dma_start3A_315] : memref<2688x2x120xi32, #tpu.memory_space<hbm>> -> memref<1x2x120xi32, #tpu.memory_space<hbm>>
        %dma_start3A_317 = tpu.memref_squeeze %dma_start3A_316 : memref<1x2x120xi32, #tpu.memory_space<hbm>> -> memref<2x120xi32, #tpu.memory_space<hbm>>
        tpu.enqueue_dma source(%dma_start3A_317 : memref<2x120xi32, #tpu.memory_space<hbm>>) target(%arg6 : memref<2x120xi32, #tpu.memory_space<vmem>>) target_semaphore(%arg15 : memref<!tpu.dma_semaphore, #tpu.memory_space<semaphore_mem>>)
      } else {
      }
      %add3A_175 = arith.constant 1 : i32
      %add3A_176 = arith.addi %add3A_162, %add3A_175 : i32
      %lt3A_177 = arith.constant 84 : i32
      %lt3A_178 = arith.cmpi slt, %add3A_176, %lt3A_177 : i32
      %convert_element_type3A_179 = arith.extui %lt3A_178 : i1 to i32
      %cond3A_180 = arith.constant 0 : i32
      %cond3A_181 = arith.cmpi ne, %convert_element_type3A_179, %cond3A_180 : i32
      scf.if %cond3A_181 {
        %add3A_307 = arith.addi %mul3A_4, %add3A_162 : i32
        %add3A_308 = arith.constant 1 : i32
        %add3A_309 = arith.addi %add3A_307, %add3A_308 : i32
        %dma_wait3A_310 = arith.constant 0 : i32
        %dma_wait3A_311 = arith.constant 0 : i32
        %dma_wait3A_312 = tpu.memref_slice %arg3[%add3A_309, %dma_wait3A_310, %dma_wait3A_311] : memref<2688x2x120xi32, #tpu.memory_space<hbm>> -> memref<1x2x120xi32, #tpu.memory_space<hbm>>
        %dma_wait3A_313 = tpu.memref_squeeze %dma_wait3A_312 : memref<1x2x120xi32, #tpu.memory_space<hbm>> -> memref<2x120xi32, #tpu.memory_space<hbm>>
        %dma_wait3A_314 = arith.constant 0 : i32
        %dma_wait3A_315 = arith.constant 0 : i32
        %dma_wait3A_316 = tpu.memref_slice %arg3[%add3A_309, %dma_wait3A_314, %dma_wait3A_315] : memref<2688x2x120xi32, #tpu.memory_space<hbm>> -> memref<1x2x120xi32, #tpu.memory_space<hbm>>
        %dma_wait3A_317 = tpu.memref_squeeze %dma_wait3A_316 : memref<1x2x120xi32, #tpu.memory_space<hbm>> -> memref<2x120xi32, #tpu.memory_space<hbm>>
        tpu.wait_dma2 semaphore(%arg18 : memref<!tpu.dma_semaphore, #tpu.memory_space<semaphore_mem>>) src(%dma_wait3A_317 : memref<2x120xi32, #tpu.memory_space<hbm>>) dst(%arg9 : memref<2x120xi32, #tpu.memory_space<vmem>>)
        %dma_start3A_318 = arith.constant 0 : i32
        %dma_start3A_319 = arith.constant 0 : i32
        %dma_start3A_320 = tpu.memref_slice %arg9[%dma_start3A_318, %dma_start3A_319] : memref<2x120xi32, #tpu.memory_space<vmem>> -> memref<1x120xi32, #tpu.memory_space<vmem>>
        %dma_start3A_321 = tpu.memref_squeeze %dma_start3A_320 : memref<1x120xi32, #tpu.memory_space<vmem>> -> memref<120xi32, #tpu.memory_space<vmem>>
        %dma_start3A_322 = arith.constant 0 : i32
        %dma_start3A_323 = arith.constant 0 : i32
        %dma_start3A_324 = tpu.memref_slice %arg2[%dma_start3A_322, %dma_start3A_323] : memref<10112x128xf32, #tpu.memory_space<hbm>> -> memref<10112x128xf32, #tpu.memory_space<hbm>>
        tpu.enqueue_indirect_dma source(%dma_start3A_324 : memref<10112x128xf32, #tpu.memory_space<hbm>>) target(%arg12 : memref<120x128xf32, #tpu.memory_space<vmem>>) offsets(%dma_start3A_321 : memref<120xi32, #tpu.memory_space<vmem>>) semaphore(%arg21 : memref<!tpu.dma_semaphore, #tpu.memory_space<semaphore_mem>>)
      } else {
      }
      %dma_wait3A_182 = arith.constant 0 : i32
      %dma_wait3A_183 = arith.constant 0 : i32
      %dma_wait3A_184 = tpu.memref_slice %arg8[%dma_wait3A_182, %dma_wait3A_183] : memref<2x120xi32, #tpu.memory_space<vmem>> -> memref<1x120xi32, #tpu.memory_space<vmem>>
      %dma_wait3A_185 = tpu.memref_squeeze %dma_wait3A_184 : memref<1x120xi32, #tpu.memory_space<vmem>> -> memref<120xi32, #tpu.memory_space<vmem>>
      %dma_wait3A_186 = arith.constant 0 : i32
      %dma_wait3A_187 = arith.constant 0 : i32
      %dma_wait3A_188 = tpu.memref_slice %arg2[%dma_wait3A_186, %dma_wait3A_187] : memref<10112x128xf32, #tpu.memory_space<hbm>> -> memref<10112x128xf32, #tpu.memory_space<hbm>>
      tpu.wait_indirect_dma semaphore(%arg23 : memref<!tpu.dma_semaphore, #tpu.memory_space<semaphore_mem>>) src(%dma_wait3A_188 : memref<10112x128xf32, #tpu.memory_space<hbm>>) dst(%arg14 : memref<120x128xf32, #tpu.memory_space<vmem>>)
      %dma_start3A_189 = arith.constant 1 : i32
      %dma_start3A_190 = arith.constant 0 : i32
      %dma_start3A_191 = tpu.memref_slice %arg8[%dma_start3A_189, %dma_start3A_190] : memref<2x120xi32, #tpu.memory_space<vmem>> -> memref<1x120xi32, #tpu.memory_space<vmem>>
      %dma_start3A_192 = tpu.memref_squeeze %dma_start3A_191 : memref<1x120xi32, #tpu.memory_space<vmem>> -> memref<120xi32, #tpu.memory_space<vmem>>
      %dma_start3A_193 = arith.constant 0 : i32
      %dma_start3A_194 = arith.constant 0 : i32
      %dma_start3A_195 = tpu.memref_slice %arg28[%dma_start3A_193, %dma_start3A_194] : memref<10112x128xf32, #tpu.memory_space<vmem_shared>> -> memref<10112x128xf32, #tpu.memory_space<vmem_shared>>
      tpu.enqueue_indirect_dma source(%arg14 : memref<120x128xf32, #tpu.memory_space<vmem>>) target(%dma_start3A_195 : memref<10112x128xf32, #tpu.memory_space<vmem_shared>>) offsets(%dma_start3A_192 : memref<120xi32, #tpu.memory_space<vmem>>) semaphore(%arg26 : memref<!tpu.dma_semaphore, #tpu.memory_space<semaphore_mem>>) {add = true}
      %mul3A_196 = arith.constant 6 : i32
      %mul3A_197 = arith.muli %scan3A_86, %mul3A_196 : i32
      %add3A_198 = arith.constant 3 : i32
      %add3A_199 = arith.addi %mul3A_197, %add3A_198 : i32
      %ge3A_200 = arith.constant 2 : i32
      %ge3A_201 = arith.cmpi sge, %add3A_199, %ge3A_200 : i32
      %convert_element_type3A_202 = arith.extui %ge3A_201 : i1 to i32
      %cond3A_203 = arith.constant 0 : i32
      %cond3A_204 = arith.cmpi ne, %convert_element_type3A_202, %cond3A_203 : i32
      scf.if %cond3A_204 {
        %dma_wait3A_307 = arith.constant 1 : i32
        %dma_wait3A_308 = arith.constant 0 : i32
        %dma_wait3A_309 = tpu.memref_slice %arg7[%dma_wait3A_307, %dma_wait3A_308] : memref<2x120xi32, #tpu.memory_space<vmem>> -> memref<1x120xi32, #tpu.memory_space<vmem>>
        %dma_wait3A_310 = tpu.memref_squeeze %dma_wait3A_309 : memref<1x120xi32, #tpu.memory_space<vmem>> -> memref<120xi32, #tpu.memory_space<vmem>>
        %dma_wait3A_311 = arith.constant 0 : i32
        %dma_wait3A_312 = arith.constant 0 : i32
        %dma_wait3A_313 = tpu.memref_slice %arg28[%dma_wait3A_311, %dma_wait3A_312] : memref<10112x128xf32, #tpu.memory_space<vmem_shared>> -> memref<10112x128xf32, #tpu.memory_space<vmem_shared>>
        tpu.wait_indirect_dma semaphore(%arg25 : memref<!tpu.dma_semaphore, #tpu.memory_space<semaphore_mem>>) src(%arg13 : memref<120x128xf32, #tpu.memory_space<vmem>>) dst(%dma_wait3A_313 : memref<10112x128xf32, #tpu.memory_space<vmem_shared>>)
      } else {
      }
      %add3A_205 = arith.constant 4 : i32
      %add3A_206 = arith.addi %add3A_199, %add3A_205 : i32
      %lt3A_207 = arith.constant 84 : i32
      %lt3A_208 = arith.cmpi slt, %add3A_206, %lt3A_207 : i32
      %convert_element_type3A_209 = arith.extui %lt3A_208 : i1 to i32
      %cond3A_210 = arith.constant 0 : i32
      %cond3A_211 = arith.cmpi ne, %convert_element_type3A_209, %cond3A_210 : i32
      scf.if %cond3A_211 {
        %add3A_307 = arith.addi %mul3A_4, %add3A_199 : i32
        %add3A_308 = arith.constant 4 : i32
        %add3A_309 = arith.addi %add3A_307, %add3A_308 : i32
        %dma_start3A_310 = arith.constant 0 : i32
        %dma_start3A_311 = arith.constant 0 : i32
        %dma_start3A_312 = tpu.memref_slice %arg3[%add3A_309, %dma_start3A_310, %dma_start3A_311] : memref<2688x2x120xi32, #tpu.memory_space<hbm>> -> memref<1x2x120xi32, #tpu.memory_space<hbm>>
        %dma_start3A_313 = tpu.memref_squeeze %dma_start3A_312 : memref<1x2x120xi32, #tpu.memory_space<hbm>> -> memref<2x120xi32, #tpu.memory_space<hbm>>
        %dma_start3A_314 = arith.constant 0 : i32
        %dma_start3A_315 = arith.constant 0 : i32
        %dma_start3A_316 = tpu.memref_slice %arg3[%add3A_309, %dma_start3A_314, %dma_start3A_315] : memref<2688x2x120xi32, #tpu.memory_space<hbm>> -> memref<1x2x120xi32, #tpu.memory_space<hbm>>
        %dma_start3A_317 = tpu.memref_squeeze %dma_start3A_316 : memref<1x2x120xi32, #tpu.memory_space<hbm>> -> memref<2x120xi32, #tpu.memory_space<hbm>>
        tpu.enqueue_dma source(%dma_start3A_317 : memref<2x120xi32, #tpu.memory_space<hbm>>) target(%arg7 : memref<2x120xi32, #tpu.memory_space<vmem>>) target_semaphore(%arg16 : memref<!tpu.dma_semaphore, #tpu.memory_space<semaphore_mem>>)
      } else {
      }
      %add3A_212 = arith.constant 1 : i32
      %add3A_213 = arith.addi %add3A_199, %add3A_212 : i32
      %lt3A_214 = arith.constant 84 : i32
      %lt3A_215 = arith.cmpi slt, %add3A_213, %lt3A_214 : i32
      %convert_element_type3A_216 = arith.extui %lt3A_215 : i1 to i32
      %cond3A_217 = arith.constant 0 : i32
      %cond3A_218 = arith.cmpi ne, %convert_element_type3A_216, %cond3A_217 : i32
      scf.if %cond3A_218 {
        %add3A_307 = arith.addi %mul3A_4, %add3A_199 : i32
        %add3A_308 = arith.constant 1 : i32
        %add3A_309 = arith.addi %add3A_307, %add3A_308 : i32
        %dma_wait3A_310 = arith.constant 0 : i32
        %dma_wait3A_311 = arith.constant 0 : i32
        %dma_wait3A_312 = tpu.memref_slice %arg3[%add3A_309, %dma_wait3A_310, %dma_wait3A_311] : memref<2688x2x120xi32, #tpu.memory_space<hbm>> -> memref<1x2x120xi32, #tpu.memory_space<hbm>>
        %dma_wait3A_313 = tpu.memref_squeeze %dma_wait3A_312 : memref<1x2x120xi32, #tpu.memory_space<hbm>> -> memref<2x120xi32, #tpu.memory_space<hbm>>
        %dma_wait3A_314 = arith.constant 0 : i32
        %dma_wait3A_315 = arith.constant 0 : i32
        %dma_wait3A_316 = tpu.memref_slice %arg3[%add3A_309, %dma_wait3A_314, %dma_wait3A_315] : memref<2688x2x120xi32, #tpu.memory_space<hbm>> -> memref<1x2x120xi32, #tpu.memory_space<hbm>>
        %dma_wait3A_317 = tpu.memref_squeeze %dma_wait3A_316 : memref<1x2x120xi32, #tpu.memory_space<hbm>> -> memref<2x120xi32, #tpu.memory_space<hbm>>
        tpu.wait_dma2 semaphore(%arg19 : memref<!tpu.dma_semaphore, #tpu.memory_space<semaphore_mem>>) src(%dma_wait3A_317 : memref<2x120xi32, #tpu.memory_space<hbm>>) dst(%arg10 : memref<2x120xi32, #tpu.memory_space<vmem>>)
        %dma_start3A_318 = arith.constant 0 : i32
        %dma_start3A_319 = arith.constant 0 : i32
        %dma_start3A_320 = tpu.memref_slice %arg10[%dma_start3A_318, %dma_start3A_319] : memref<2x120xi32, #tpu.memory_space<vmem>> -> memref<1x120xi32, #tpu.memory_space<vmem>>
        %dma_start3A_321 = tpu.memref_squeeze %dma_start3A_320 : memref<1x120xi32, #tpu.memory_space<vmem>> -> memref<120xi32, #tpu.memory_space<vmem>>
        %dma_start3A_322 = arith.constant 0 : i32
        %dma_start3A_323 = arith.constant 0 : i32
        %dma_start3A_324 = tpu.memref_slice %arg2[%dma_start3A_322, %dma_start3A_323] : memref<10112x128xf32, #tpu.memory_space<hbm>> -> memref<10112x128xf32, #tpu.memory_space<hbm>>
        tpu.enqueue_indirect_dma source(%dma_start3A_324 : memref<10112x128xf32, #tpu.memory_space<hbm>>) target(%arg13 : memref<120x128xf32, #tpu.memory_space<vmem>>) offsets(%dma_start3A_321 : memref<120xi32, #tpu.memory_space<vmem>>) semaphore(%arg22 : memref<!tpu.dma_semaphore, #tpu.memory_space<semaphore_mem>>)
      } else {
      }
      %dma_wait3A_219 = arith.constant 0 : i32
      %dma_wait3A_220 = arith.constant 0 : i32
      %dma_wait3A_221 = tpu.memref_slice %arg9[%dma_wait3A_219, %dma_wait3A_220] : memref<2x120xi32, #tpu.memory_space<vmem>> -> memref<1x120xi32, #tpu.memory_space<vmem>>
      %dma_wait3A_222 = tpu.memref_squeeze %dma_wait3A_221 : memref<1x120xi32, #tpu.memory_space<vmem>> -> memref<120xi32, #tpu.memory_space<vmem>>
      %dma_wait3A_223 = arith.constant 0 : i32
      %dma_wait3A_224 = arith.constant 0 : i32
      %dma_wait3A_225 = tpu.memref_slice %arg2[%dma_wait3A_223, %dma_wait3A_224] : memref<10112x128xf32, #tpu.memory_space<hbm>> -> memref<10112x128xf32, #tpu.memory_space<hbm>>
      tpu.wait_indirect_dma semaphore(%arg21 : memref<!tpu.dma_semaphore, #tpu.memory_space<semaphore_mem>>) src(%dma_wait3A_225 : memref<10112x128xf32, #tpu.memory_space<hbm>>) dst(%arg12 : memref<120x128xf32, #tpu.memory_space<vmem>>)
      %dma_start3A_226 = arith.constant 1 : i32
      %dma_start3A_227 = arith.constant 0 : i32
      %dma_start3A_228 = tpu.memref_slice %arg9[%dma_start3A_226, %dma_start3A_227] : memref<2x120xi32, #tpu.memory_space<vmem>> -> memref<1x120xi32, #tpu.memory_space<vmem>>
      %dma_start3A_229 = tpu.memref_squeeze %dma_start3A_228 : memref<1x120xi32, #tpu.memory_space<vmem>> -> memref<120xi32, #tpu.memory_space<vmem>>
      %dma_start3A_230 = arith.constant 0 : i32
      %dma_start3A_231 = arith.constant 0 : i32
      %dma_start3A_232 = tpu.memref_slice %arg28[%dma_start3A_230, %dma_start3A_231] : memref<10112x128xf32, #tpu.memory_space<vmem_shared>> -> memref<10112x128xf32, #tpu.memory_space<vmem_shared>>
      tpu.enqueue_indirect_dma source(%arg12 : memref<120x128xf32, #tpu.memory_space<vmem>>) target(%dma_start3A_232 : memref<10112x128xf32, #tpu.memory_space<vmem_shared>>) offsets(%dma_start3A_229 : memref<120xi32, #tpu.memory_space<vmem>>) semaphore(%arg24 : memref<!tpu.dma_semaphore, #tpu.memory_space<semaphore_mem>>) {add = true}
      %mul3A_233 = arith.constant 6 : i32
      %mul3A_234 = arith.muli %scan3A_86, %mul3A_233 : i32
      %add3A_235 = arith.constant 4 : i32
      %add3A_236 = arith.addi %mul3A_234, %add3A_235 : i32
      %ge3A_237 = arith.constant 2 : i32
      %ge3A_238 = arith.cmpi sge, %add3A_236, %ge3A_237 : i32
      %convert_element_type3A_239 = arith.extui %ge3A_238 : i1 to i32
      %cond3A_240 = arith.constant 0 : i32
      %cond3A_241 = arith.cmpi ne, %convert_element_type3A_239, %cond3A_240 : i32
      scf.if %cond3A_241 {
        %dma_wait3A_307 = arith.constant 1 : i32
        %dma_wait3A_308 = arith.constant 0 : i32
        %dma_wait3A_309 = tpu.memref_slice %arg8[%dma_wait3A_307, %dma_wait3A_308] : memref<2x120xi32, #tpu.memory_space<vmem>> -> memref<1x120xi32, #tpu.memory_space<vmem>>
        %dma_wait3A_310 = tpu.memref_squeeze %dma_wait3A_309 : memref<1x120xi32, #tpu.memory_space<vmem>> -> memref<120xi32, #tpu.memory_space<vmem>>
        %dma_wait3A_311 = arith.constant 0 : i32
        %dma_wait3A_312 = arith.constant 0 : i32
        %dma_wait3A_313 = tpu.memref_slice %arg28[%dma_wait3A_311, %dma_wait3A_312] : memref<10112x128xf32, #tpu.memory_space<vmem_shared>> -> memref<10112x128xf32, #tpu.memory_space<vmem_shared>>
        tpu.wait_indirect_dma semaphore(%arg26 : memref<!tpu.dma_semaphore, #tpu.memory_space<semaphore_mem>>) src(%arg14 : memref<120x128xf32, #tpu.memory_space<vmem>>) dst(%dma_wait3A_313 : memref<10112x128xf32, #tpu.memory_space<vmem_shared>>)
      } else {
      }
      %add3A_242 = arith.constant 4 : i32
      %add3A_243 = arith.addi %add3A_236, %add3A_242 : i32
      %lt3A_244 = arith.constant 84 : i32
      %lt3A_245 = arith.cmpi slt, %add3A_243, %lt3A_244 : i32
      %convert_element_type3A_246 = arith.extui %lt3A_245 : i1 to i32
      %cond3A_247 = arith.constant 0 : i32
      %cond3A_248 = arith.cmpi ne, %convert_element_type3A_246, %cond3A_247 : i32
      scf.if %cond3A_248 {
        %add3A_307 = arith.addi %mul3A_4, %add3A_236 : i32
        %add3A_308 = arith.constant 4 : i32
        %add3A_309 = arith.addi %add3A_307, %add3A_308 : i32
        %dma_start3A_310 = arith.constant 0 : i32
        %dma_start3A_311 = arith.constant 0 : i32
        %dma_start3A_312 = tpu.memref_slice %arg3[%add3A_309, %dma_start3A_310, %dma_start3A_311] : memref<2688x2x120xi32, #tpu.memory_space<hbm>> -> memref<1x2x120xi32, #tpu.memory_space<hbm>>
        %dma_start3A_313 = tpu.memref_squeeze %dma_start3A_312 : memref<1x2x120xi32, #tpu.memory_space<hbm>> -> memref<2x120xi32, #tpu.memory_space<hbm>>
        %dma_start3A_314 = arith.constant 0 : i32
        %dma_start3A_315 = arith.constant 0 : i32
        %dma_start3A_316 = tpu.memref_slice %arg3[%add3A_309, %dma_start3A_314, %dma_start3A_315] : memref<2688x2x120xi32, #tpu.memory_space<hbm>> -> memref<1x2x120xi32, #tpu.memory_space<hbm>>
        %dma_start3A_317 = tpu.memref_squeeze %dma_start3A_316 : memref<1x2x120xi32, #tpu.memory_space<hbm>> -> memref<2x120xi32, #tpu.memory_space<hbm>>
        tpu.enqueue_dma source(%dma_start3A_317 : memref<2x120xi32, #tpu.memory_space<hbm>>) target(%arg8 : memref<2x120xi32, #tpu.memory_space<vmem>>) target_semaphore(%arg17 : memref<!tpu.dma_semaphore, #tpu.memory_space<semaphore_mem>>)
      } else {
      }
      %add3A_249 = arith.constant 1 : i32
      %add3A_250 = arith.addi %add3A_236, %add3A_249 : i32
      %lt3A_251 = arith.constant 84 : i32
      %lt3A_252 = arith.cmpi slt, %add3A_250, %lt3A_251 : i32
      %convert_element_type3A_253 = arith.extui %lt3A_252 : i1 to i32
      %cond3A_254 = arith.constant 0 : i32
      %cond3A_255 = arith.cmpi ne, %convert_element_type3A_253, %cond3A_254 : i32
      scf.if %cond3A_255 {
        %add3A_307 = arith.addi %mul3A_4, %add3A_236 : i32
        %add3A_308 = arith.constant 1 : i32
        %add3A_309 = arith.addi %add3A_307, %add3A_308 : i32
        %dma_wait3A_310 = arith.constant 0 : i32
        %dma_wait3A_311 = arith.constant 0 : i32
        %dma_wait3A_312 = tpu.memref_slice %arg3[%add3A_309, %dma_wait3A_310, %dma_wait3A_311] : memref<2688x2x120xi32, #tpu.memory_space<hbm>> -> memref<1x2x120xi32, #tpu.memory_space<hbm>>
        %dma_wait3A_313 = tpu.memref_squeeze %dma_wait3A_312 : memref<1x2x120xi32, #tpu.memory_space<hbm>> -> memref<2x120xi32, #tpu.memory_space<hbm>>
        %dma_wait3A_314 = arith.constant 0 : i32
        %dma_wait3A_315 = arith.constant 0 : i32
        %dma_wait3A_316 = tpu.memref_slice %arg3[%add3A_309, %dma_wait3A_314, %dma_wait3A_315] : memref<2688x2x120xi32, #tpu.memory_space<hbm>> -> memref<1x2x120xi32, #tpu.memory_space<hbm>>
        %dma_wait3A_317 = tpu.memref_squeeze %dma_wait3A_316 : memref<1x2x120xi32, #tpu.memory_space<hbm>> -> memref<2x120xi32, #tpu.memory_space<hbm>>
        tpu.wait_dma2 semaphore(%arg20 : memref<!tpu.dma_semaphore, #tpu.memory_space<semaphore_mem>>) src(%dma_wait3A_317 : memref<2x120xi32, #tpu.memory_space<hbm>>) dst(%arg11 : memref<2x120xi32, #tpu.memory_space<vmem>>)
        %dma_start3A_318 = arith.constant 0 : i32
        %dma_start3A_319 = arith.constant 0 : i32
        %dma_start3A_320 = tpu.memref_slice %arg11[%dma_start3A_318, %dma_start3A_319] : memref<2x120xi32, #tpu.memory_space<vmem>> -> memref<1x120xi32, #tpu.memory_space<vmem>>
        %dma_start3A_321 = tpu.memref_squeeze %dma_start3A_320 : memref<1x120xi32, #tpu.memory_space<vmem>> -> memref<120xi32, #tpu.memory_space<vmem>>
        %dma_start3A_322 = arith.constant 0 : i32
        %dma_start3A_323 = arith.constant 0 : i32
        %dma_start3A_324 = tpu.memref_slice %arg2[%dma_start3A_322, %dma_start3A_323] : memref<10112x128xf32, #tpu.memory_space<hbm>> -> memref<10112x128xf32, #tpu.memory_space<hbm>>
        tpu.enqueue_indirect_dma source(%dma_start3A_324 : memref<10112x128xf32, #tpu.memory_space<hbm>>) target(%arg14 : memref<120x128xf32, #tpu.memory_space<vmem>>) offsets(%dma_start3A_321 : memref<120xi32, #tpu.memory_space<vmem>>) semaphore(%arg23 : memref<!tpu.dma_semaphore, #tpu.memory_space<semaphore_mem>>)
      } else {
      }
      %dma_wait3A_256 = arith.constant 0 : i32
      %dma_wait3A_257 = arith.constant 0 : i32
      %dma_wait3A_258 = tpu.memref_slice %arg10[%dma_wait3A_256, %dma_wait3A_257] : memref<2x120xi32, #tpu.memory_space<vmem>> -> memref<1x120xi32, #tpu.memory_space<vmem>>
      %dma_wait3A_259 = tpu.memref_squeeze %dma_wait3A_258 : memref<1x120xi32, #tpu.memory_space<vmem>> -> memref<120xi32, #tpu.memory_space<vmem>>
      %dma_wait3A_260 = arith.constant 0 : i32
      %dma_wait3A_261 = arith.constant 0 : i32
      %dma_wait3A_262 = tpu.memref_slice %arg2[%dma_wait3A_260, %dma_wait3A_261] : memref<10112x128xf32, #tpu.memory_space<hbm>> -> memref<10112x128xf32, #tpu.memory_space<hbm>>
      tpu.wait_indirect_dma semaphore(%arg22 : memref<!tpu.dma_semaphore, #tpu.memory_space<semaphore_mem>>) src(%dma_wait3A_262 : memref<10112x128xf32, #tpu.memory_space<hbm>>) dst(%arg13 : memref<120x128xf32, #tpu.memory_space<vmem>>)
      %dma_start3A_263 = arith.constant 1 : i32
      %dma_start3A_264 = arith.constant 0 : i32
      %dma_start3A_265 = tpu.memref_slice %arg10[%dma_start3A_263, %dma_start3A_264] : memref<2x120xi32, #tpu.memory_space<vmem>> -> memref<1x120xi32, #tpu.memory_space<vmem>>
      %dma_start3A_266 = tpu.memref_squeeze %dma_start3A_265 : memref<1x120xi32, #tpu.memory_space<vmem>> -> memref<120xi32, #tpu.memory_space<vmem>>
      %dma_start3A_267 = arith.constant 0 : i32
      %dma_start3A_268 = arith.constant 0 : i32
      %dma_start3A_269 = tpu.memref_slice %arg28[%dma_start3A_267, %dma_start3A_268] : memref<10112x128xf32, #tpu.memory_space<vmem_shared>> -> memref<10112x128xf32, #tpu.memory_space<vmem_shared>>
      tpu.enqueue_indirect_dma source(%arg13 : memref<120x128xf32, #tpu.memory_space<vmem>>) target(%dma_start3A_269 : memref<10112x128xf32, #tpu.memory_space<vmem_shared>>) offsets(%dma_start3A_266 : memref<120xi32, #tpu.memory_space<vmem>>) semaphore(%arg25 : memref<!tpu.dma_semaphore, #tpu.memory_space<semaphore_mem>>) {add = true}
      %mul3A_270 = arith.constant 6 : i32
      %mul3A_271 = arith.muli %scan3A_86, %mul3A_270 : i32
      %add3A_272 = arith.constant 5 : i32
      %add3A_273 = arith.addi %mul3A_271, %add3A_272 : i32
      %ge3A_274 = arith.constant 2 : i32
      %ge3A_275 = arith.cmpi sge, %add3A_273, %ge3A_274 : i32
      %convert_element_type3A_276 = arith.extui %ge3A_275 : i1 to i32
      %cond3A_277 = arith.constant 0 : i32
      %cond3A_278 = arith.cmpi ne, %convert_element_type3A_276, %cond3A_277 : i32
      scf.if %cond3A_278 {
        %dma_wait3A_307 = arith.constant 1 : i32
        %dma_wait3A_308 = arith.constant 0 : i32
        %dma_wait3A_309 = tpu.memref_slice %arg9[%dma_wait3A_307, %dma_wait3A_308] : memref<2x120xi32, #tpu.memory_space<vmem>> -> memref<1x120xi32, #tpu.memory_space<vmem>>
        %dma_wait3A_310 = tpu.memref_squeeze %dma_wait3A_309 : memref<1x120xi32, #tpu.memory_space<vmem>> -> memref<120xi32, #tpu.memory_space<vmem>>
        %dma_wait3A_311 = arith.constant 0 : i32
        %dma_wait3A_312 = arith.constant 0 : i32
        %dma_wait3A_313 = tpu.memref_slice %arg28[%dma_wait3A_311, %dma_wait3A_312] : memref<10112x128xf32, #tpu.memory_space<vmem_shared>> -> memref<10112x128xf32, #tpu.memory_space<vmem_shared>>
        tpu.wait_indirect_dma semaphore(%arg24 : memref<!tpu.dma_semaphore, #tpu.memory_space<semaphore_mem>>) src(%arg12 : memref<120x128xf32, #tpu.memory_space<vmem>>) dst(%dma_wait3A_313 : memref<10112x128xf32, #tpu.memory_space<vmem_shared>>)
      } else {
      }
      %add3A_279 = arith.constant 4 : i32
      %add3A_280 = arith.addi %add3A_273, %add3A_279 : i32
      %lt3A_281 = arith.constant 84 : i32
      %lt3A_282 = arith.cmpi slt, %add3A_280, %lt3A_281 : i32
      %convert_element_type3A_283 = arith.extui %lt3A_282 : i1 to i32
      %cond3A_284 = arith.constant 0 : i32
      %cond3A_285 = arith.cmpi ne, %convert_element_type3A_283, %cond3A_284 : i32
      scf.if %cond3A_285 {
        %add3A_307 = arith.addi %mul3A_4, %add3A_273 : i32
        %add3A_308 = arith.constant 4 : i32
        %add3A_309 = arith.addi %add3A_307, %add3A_308 : i32
        %dma_start3A_310 = arith.constant 0 : i32
        %dma_start3A_311 = arith.constant 0 : i32
        %dma_start3A_312 = tpu.memref_slice %arg3[%add3A_309, %dma_start3A_310, %dma_start3A_311] : memref<2688x2x120xi32, #tpu.memory_space<hbm>> -> memref<1x2x120xi32, #tpu.memory_space<hbm>>
        %dma_start3A_313 = tpu.memref_squeeze %dma_start3A_312 : memref<1x2x120xi32, #tpu.memory_space<hbm>> -> memref<2x120xi32, #tpu.memory_space<hbm>>
        %dma_start3A_314 = arith.constant 0 : i32
        %dma_start3A_315 = arith.constant 0 : i32
        %dma_start3A_316 = tpu.memref_slice %arg3[%add3A_309, %dma_start3A_314, %dma_start3A_315] : memref<2688x2x120xi32, #tpu.memory_space<hbm>> -> memref<1x2x120xi32, #tpu.memory_space<hbm>>
        %dma_start3A_317 = tpu.memref_squeeze %dma_start3A_316 : memref<1x2x120xi32, #tpu.memory_space<hbm>> -> memref<2x120xi32, #tpu.memory_space<hbm>>
        tpu.enqueue_dma source(%dma_start3A_317 : memref<2x120xi32, #tpu.memory_space<hbm>>) target(%arg9 : memref<2x120xi32, #tpu.memory_space<vmem>>) target_semaphore(%arg18 : memref<!tpu.dma_semaphore, #tpu.memory_space<semaphore_mem>>)
      } else {
      }
      %add3A_286 = arith.constant 1 : i32
      %add3A_287 = arith.addi %add3A_273, %add3A_286 : i32
      %lt3A_288 = arith.constant 84 : i32
      %lt3A_289 = arith.cmpi slt, %add3A_287, %lt3A_288 : i32
      %convert_element_type3A_290 = arith.extui %lt3A_289 : i1 to i32
      %cond3A_291 = arith.constant 0 : i32
      %cond3A_292 = arith.cmpi ne, %convert_element_type3A_290, %cond3A_291 : i32
      scf.if %cond3A_292 {
        %add3A_307 = arith.addi %mul3A_4, %add3A_273 : i32
        %add3A_308 = arith.constant 1 : i32
        %add3A_309 = arith.addi %add3A_307, %add3A_308 : i32
        %dma_wait3A_310 = arith.constant 0 : i32
        %dma_wait3A_311 = arith.constant 0 : i32
        %dma_wait3A_312 = tpu.memref_slice %arg3[%add3A_309, %dma_wait3A_310, %dma_wait3A_311] : memref<2688x2x120xi32, #tpu.memory_space<hbm>> -> memref<1x2x120xi32, #tpu.memory_space<hbm>>
        %dma_wait3A_313 = tpu.memref_squeeze %dma_wait3A_312 : memref<1x2x120xi32, #tpu.memory_space<hbm>> -> memref<2x120xi32, #tpu.memory_space<hbm>>
        %dma_wait3A_314 = arith.constant 0 : i32
        %dma_wait3A_315 = arith.constant 0 : i32
        %dma_wait3A_316 = tpu.memref_slice %arg3[%add3A_309, %dma_wait3A_314, %dma_wait3A_315] : memref<2688x2x120xi32, #tpu.memory_space<hbm>> -> memref<1x2x120xi32, #tpu.memory_space<hbm>>
        %dma_wait3A_317 = tpu.memref_squeeze %dma_wait3A_316 : memref<1x2x120xi32, #tpu.memory_space<hbm>> -> memref<2x120xi32, #tpu.memory_space<hbm>>
        tpu.wait_dma2 semaphore(%arg15 : memref<!tpu.dma_semaphore, #tpu.memory_space<semaphore_mem>>) src(%dma_wait3A_317 : memref<2x120xi32, #tpu.memory_space<hbm>>) dst(%arg6 : memref<2x120xi32, #tpu.memory_space<vmem>>)
        %dma_start3A_318 = arith.constant 0 : i32
        %dma_start3A_319 = arith.constant 0 : i32
        %dma_start3A_320 = tpu.memref_slice %arg6[%dma_start3A_318, %dma_start3A_319] : memref<2x120xi32, #tpu.memory_space<vmem>> -> memref<1x120xi32, #tpu.memory_space<vmem>>
        %dma_start3A_321 = tpu.memref_squeeze %dma_start3A_320 : memref<1x120xi32, #tpu.memory_space<vmem>> -> memref<120xi32, #tpu.memory_space<vmem>>
        %dma_start3A_322 = arith.constant 0 : i32
        %dma_start3A_323 = arith.constant 0 : i32
        %dma_start3A_324 = tpu.memref_slice %arg2[%dma_start3A_322, %dma_start3A_323] : memref<10112x128xf32, #tpu.memory_space<hbm>> -> memref<10112x128xf32, #tpu.memory_space<hbm>>
        tpu.enqueue_indirect_dma source(%dma_start3A_324 : memref<10112x128xf32, #tpu.memory_space<hbm>>) target(%arg12 : memref<120x128xf32, #tpu.memory_space<vmem>>) offsets(%dma_start3A_321 : memref<120xi32, #tpu.memory_space<vmem>>) semaphore(%arg21 : memref<!tpu.dma_semaphore, #tpu.memory_space<semaphore_mem>>)
      } else {
      }
      %dma_wait3A_293 = arith.constant 0 : i32
      %dma_wait3A_294 = arith.constant 0 : i32
      %dma_wait3A_295 = tpu.memref_slice %arg11[%dma_wait3A_293, %dma_wait3A_294] : memref<2x120xi32, #tpu.memory_space<vmem>> -> memref<1x120xi32, #tpu.memory_space<vmem>>
      %dma_wait3A_296 = tpu.memref_squeeze %dma_wait3A_295 : memref<1x120xi32, #tpu.memory_space<vmem>> -> memref<120xi32, #tpu.memory_space<vmem>>
      %dma_wait3A_297 = arith.constant 0 : i32
      %dma_wait3A_298 = arith.constant 0 : i32
      %dma_wait3A_299 = tpu.memref_slice %arg2[%dma_wait3A_297, %dma_wait3A_298] : memref<10112x128xf32, #tpu.memory_space<hbm>> -> memref<10112x128xf32, #tpu.memory_space<hbm>>
      tpu.wait_indirect_dma semaphore(%arg23 : memref<!tpu.dma_semaphore, #tpu.memory_space<semaphore_mem>>) src(%dma_wait3A_299 : memref<10112x128xf32, #tpu.memory_space<hbm>>) dst(%arg14 : memref<120x128xf32, #tpu.memory_space<vmem>>)
      %dma_start3A_300 = arith.constant 1 : i32
      %dma_start3A_301 = arith.constant 0 : i32
      %dma_start3A_302 = tpu.memref_slice %arg11[%dma_start3A_300, %dma_start3A_301] : memref<2x120xi32, #tpu.memory_space<vmem>> -> memref<1x120xi32, #tpu.memory_space<vmem>>
      %dma_start3A_303 = tpu.memref_squeeze %dma_start3A_302 : memref<1x120xi32, #tpu.memory_space<vmem>> -> memref<120xi32, #tpu.memory_space<vmem>>
      %dma_start3A_304 = arith.constant 0 : i32
      %dma_start3A_305 = arith.constant 0 : i32
      %dma_start3A_306 = tpu.memref_slice %arg28[%dma_start3A_304, %dma_start3A_305] : memref<10112x128xf32, #tpu.memory_space<vmem_shared>> -> memref<10112x128xf32, #tpu.memory_space<vmem_shared>>
      tpu.enqueue_indirect_dma source(%arg14 : memref<120x128xf32, #tpu.memory_space<vmem>>) target(%dma_start3A_306 : memref<10112x128xf32, #tpu.memory_space<vmem_shared>>) offsets(%dma_start3A_303 : memref<120xi32, #tpu.memory_space<vmem>>) semaphore(%arg26 : memref<!tpu.dma_semaphore, #tpu.memory_space<semaphore_mem>>) {add = true}
    }
    %scan3A_70 = arith.constant 14 : i32
    %dma_wait3A_71 = arith.constant 1 : i32
    %dma_wait3A_72 = arith.constant 0 : i32
    %dma_wait3A_73 = tpu.memref_slice %arg10[%dma_wait3A_71, %dma_wait3A_72] : memref<2x120xi32, #tpu.memory_space<vmem>> -> memref<1x120xi32, #tpu.memory_space<vmem>>
    %dma_wait3A_74 = tpu.memref_squeeze %dma_wait3A_73 : memref<1x120xi32, #tpu.memory_space<vmem>> -> memref<120xi32, #tpu.memory_space<vmem>>
    %dma_wait3A_75 = arith.constant 0 : i32
    %dma_wait3A_76 = arith.constant 0 : i32
    %dma_wait3A_77 = tpu.memref_slice %arg28[%dma_wait3A_75, %dma_wait3A_76] : memref<10112x128xf32, #tpu.memory_space<vmem_shared>> -> memref<10112x128xf32, #tpu.memory_space<vmem_shared>>
    tpu.wait_indirect_dma semaphore(%arg25 : memref<!tpu.dma_semaphore, #tpu.memory_space<semaphore_mem>>) src(%arg13 : memref<120x128xf32, #tpu.memory_space<vmem>>) dst(%dma_wait3A_77 : memref<10112x128xf32, #tpu.memory_space<vmem_shared>>)
    %dma_wait3A_78 = arith.constant 1 : i32
    %dma_wait3A_79 = arith.constant 0 : i32
    %dma_wait3A_80 = tpu.memref_slice %arg11[%dma_wait3A_78, %dma_wait3A_79] : memref<2x120xi32, #tpu.memory_space<vmem>> -> memref<1x120xi32, #tpu.memory_space<vmem>>
    %dma_wait3A_81 = tpu.memref_squeeze %dma_wait3A_80 : memref<1x120xi32, #tpu.memory_space<vmem>> -> memref<120xi32, #tpu.memory_space<vmem>>
    %dma_wait3A_82 = arith.constant 0 : i32
    %dma_wait3A_83 = arith.constant 0 : i32
    %dma_wait3A_84 = tpu.memref_slice %arg28[%dma_wait3A_82, %dma_wait3A_83] : memref<10112x128xf32, #tpu.memory_space<vmem_shared>> -> memref<10112x128xf32, #tpu.memory_space<vmem_shared>>
    tpu.wait_indirect_dma semaphore(%arg26 : memref<!tpu.dma_semaphore, #tpu.memory_space<semaphore_mem>>) src(%arg14 : memref<120x128xf32, #tpu.memory_space<vmem>>) dst(%dma_wait3A_84 : memref<10112x128xf32, #tpu.memory_space<vmem_shared>>)
    %barrier3A_85 = arith.constant 0 : index
    tpu.barrier barrier_id(%barrier3A_85)
    "tpu.region"() ({
      %run_scoped3A = tpu.sem_alloc : memref<!tpu.dma_semaphore, #tpu.memory_space<semaphore_mem>>
      %dma_start3A_86 = arith.constant 0 : i32
      %dma_start3A_87 = tpu.memref_slice %arg5[%arg0, %mul3A_0, %dma_start3A_86] : memref<2x10112x128xf32, #tpu.memory_space<hbm>> -> memref<1x632x128xf32, #tpu.memory_space<hbm>>
      %dma_start3A_88 = tpu.memref_squeeze %dma_start3A_87 : memref<1x632x128xf32, #tpu.memory_space<hbm>> -> memref<632x128xf32, #tpu.memory_space<hbm>>
      %dma_start3A_89 = arith.constant 0 : i32
      %dma_start3A_90 = tpu.memref_slice %arg28[%mul3A_0, %dma_start3A_89] : memref<10112x128xf32, #tpu.memory_space<vmem_shared>> -> memref<632x128xf32, #tpu.memory_space<vmem_shared>>
      tpu.enqueue_dma source(%dma_start3A_90 : memref<632x128xf32, #tpu.memory_space<vmem_shared>>) target(%dma_start3A_88 : memref<632x128xf32, #tpu.memory_space<hbm>>) target_semaphore(%run_scoped3A : memref<!tpu.dma_semaphore, #tpu.memory_space<semaphore_mem>>)
      %dma_wait3A_91 = arith.constant 0 : i32
      %dma_wait3A_92 = tpu.memref_slice %arg5[%arg0, %mul3A_0, %dma_wait3A_91] : memref<2x10112x128xf32, #tpu.memory_space<hbm>> -> memref<1x632x128xf32, #tpu.memory_space<hbm>>
      %dma_wait3A_93 = tpu.memref_squeeze %dma_wait3A_92 : memref<1x632x128xf32, #tpu.memory_space<hbm>> -> memref<632x128xf32, #tpu.memory_space<hbm>>
      %dma_wait3A_94 = arith.constant 0 : i32
      %dma_wait3A_95 = tpu.memref_slice %arg28[%mul3A_0, %dma_wait3A_94] : memref<10112x128xf32, #tpu.memory_space<vmem_shared>> -> memref<632x128xf32, #tpu.memory_space<vmem_shared>>
      tpu.wait_dma2 semaphore(%run_scoped3A : memref<!tpu.dma_semaphore, #tpu.memory_space<semaphore_mem>>) src(%dma_wait3A_95 : memref<632x128xf32, #tpu.memory_space<vmem_shared>>) dst(%dma_wait3A_93 : memref<632x128xf32, #tpu.memory_space<hbm>>)
      tpu.yield
    }) : () -> ()
    return
  }
}

module attributes {stable_mosaic.version = 14 : i64} {
  func.func @_mm_block(%arg0: i32, %arg1: memref<1x2000x128xf32, #tpu.memory_space<vmem>>, %arg2: memref<1x2000x128xf32, #tpu.memory_space<vmem>>, %arg3: memref<128x128xf32, #tpu.memory_space<vmem>>, %arg4: memref<1x128xf32, #tpu.memory_space<vmem>>, %arg5: memref<2000x128xf32, #tpu.memory_space<vmem>>) attributes {dimension_semantics = [#tpu.dimension_semantics<arbitrary>], iteration_bounds = array<i64: 5>, scalar_prefetch = 0 : i64, scratch_operands = 0 : i64, tpu.core_type = #tpu.core_type<tc>, window_params = [{transform_indices = @transform_0, window_bounds = array<i64: 1, 2000, 128>}, {transform_indices = @transform_1, window_bounds = array<i64: 1, 2000, 128>}, {pipeline_mode = #tpu.pipeline_mode<synchronous>, transform_indices = @transform_2, window_bounds = array<i64: 128, 128>}, {pipeline_mode = #tpu.pipeline_mode<synchronous>, transform_indices = @transform_3, window_bounds = array<i64: 1, 128>}, {transform_indices = @transform_4, window_bounds = array<i64: 2000, 128>}]} {
    %get3A = arith.constant 0 : index
    %get3A_0 = arith.constant 0 : index
    %get3A_1 = arith.constant 0 : index
    %get3A_2 = vector.load %arg1[%get3A, %get3A_0, %get3A_1] : memref<1x2000x128xf32, #tpu.memory_space<vmem>>, vector<1x2000x128xf32>
    %get3A_3 = vector.shape_cast %get3A_2 : vector<1x2000x128xf32> to vector<2000x128xf32>
    %get3A_4 = arith.constant 0 : index
    %get3A_5 = arith.constant 0 : index
    %get3A_6 = arith.constant 0 : index
    %get3A_7 = vector.load %arg2[%get3A_4, %get3A_5, %get3A_6] : memref<1x2000x128xf32, #tpu.memory_space<vmem>>, vector<1x2000x128xf32>
    %get3A_8 = vector.shape_cast %get3A_7 : vector<1x2000x128xf32> to vector<2000x128xf32>
    %add3A = arith.addf %get3A_3, %get3A_8 : vector<2000x128xf32>
    %get3A_9 = arith.constant 0 : index
    %get3A_10 = arith.constant 0 : index
    %get3A_11 = vector.load %arg3[%get3A_9, %get3A_10] : memref<128x128xf32, #tpu.memory_space<vmem>>, vector<128x128xf32>
    %dot_general3A = arith.constant dense<0.000000e+00> : vector<2000x128xf32>
    %dot_general3A_12 = tpu.matmul %add3A, %get3A_11, %dot_general3A {dimension_numbers = #tpu.dot_dimension_numbers<[1], [0], [0], [1], [0, 0, 1, 1], [], []>, transpose_lhs_hint = false} : vector<2000x128xf32>, vector<128x128xf32>, vector<2000x128xf32> -> vector<2000x128xf32>
    %get3A_13 = arith.constant 0 : index
    %get3A_14 = arith.constant 0 : index
    %get3A_15 = vector.load %arg4[%get3A_13, %get3A_14] : memref<1x128xf32, #tpu.memory_space<vmem>>, vector<1x128xf32>
    %add3A_16 = vector.broadcast %get3A_15 : vector<1x128xf32> to vector<2000x128xf32>
    %add3A_17 = arith.addf %dot_general3A_12, %add3A_16 : vector<2000x128xf32>
    %swap3A = arith.constant 0 : index
    %swap3A_18 = arith.constant 0 : index
    %swap3A_19 = vector.load %arg5[%swap3A, %swap3A_18] : memref<2000x128xf32, #tpu.memory_space<vmem>>, vector<2000x128xf32>
    tpu.vector_store %arg5[%swap3A, %swap3A_18], %add3A_17 {strides = array<i32>} : memref<2000x128xf32, #tpu.memory_space<vmem>>, vector<2000x128xf32>,
    return
  }
  func.func @transform_0(%arg0: i32) -> (i32, i32, i32) {
    %c0_i32 = arith.constant 0 : i32
    %c0_i32_0 = arith.constant 0 : i32
    %c0_i32_1 = arith.constant 0 : i32
    return %c0_i32, %arg0, %c0_i32_0 : i32, i32, i32
  }
  func.func @transform_1(%arg0: i32) -> (i32, i32, i32) {
    %c1_i32 = arith.constant 1 : i32
    %c0_i32 = arith.constant 0 : i32
    %c0_i32_0 = arith.constant 0 : i32
    return %c1_i32, %arg0, %c0_i32 : i32, i32, i32
  }
  func.func @transform_2(%arg0: i32) -> (i32, i32) {
    %c0_i32 = arith.constant 0 : i32
    %c0_i32_0 = arith.constant 0 : i32
    %c0_i32_1 = arith.constant 0 : i32
    return %c0_i32, %c0_i32_0 : i32, i32
  }
  func.func @transform_3(%arg0: i32) -> (i32, i32) {
    %c0_i32 = arith.constant 0 : i32
    %c0_i32_0 = arith.constant 0 : i32
    %c0_i32_1 = arith.constant 0 : i32
    return %c0_i32, %c0_i32_0 : i32, i32
  }
  func.func @transform_4(%arg0: i32) -> (i32, i32) {
    %c0_i32 = arith.constant 0 : i32
    %c0_i32_0 = arith.constant 0 : i32
    return %arg0, %c0_i32 : i32, i32
  }
}

</mosaic_0001>

<sc_bundles>
// kernel: kernel.4.cloned.1.call-start
scs
__scs_entry_jumppad:
0x0: {  	(pc) =	sbr.rel $0x88, $3  }
0x1: {  	(tag) =	ssettag $0x0;
	lr =	simm.s32 $0x1  }
0x2: {  	[smem:$0x3F9D] =	sst lr;
	_ =	strace $0xD0000000  }
0x3: {  	_ = 	snop  }
0x4: {  	_ = 	snop  }
0x5: {  	_ = 	snop  }
0x6: {  	_ = 	snop  }
0x7: {  	_ = 	snop  }
__scs_overlays_trampoline_lowered:
0x8: {  	[smem:$0x3FAC] =	sst s0  }
0x9: {  	[smem:$0x3FAD] =	sst s1  }
0xa: {  	[smem:$0x3FAE] =	sst s2  }
0xb: {  	[smem:$0x3FAF] =	sst s3  }
0xc: {  	[smem:$0x3FB0] =	sst s4  }
0xd: {  	[smem:$0x3FB1] =	sst s5  }
0xe: {  	[smem:$0x3FB2] =	sst s6  }
0xf: {  	[smem:$0x3FB3] =	sst s7  }
0x10: {  	[smem:$0x3FB4] =	sst s8  }
0x11: {  	[smem:$0x3FB5] =	sst s9;
	s0 =	simm.s32 @!p0 $0x0  }
0x12: {  	s1 =	sld [smem:$0x3F9B];
	s0 =	simm.s32 @p0 $0x1  }
0x13: {  	[smem:$0x3FB6] =	sst s0;
	s0 =	simm.s32 @!p1 $0x0  }
0x14: {  	s2 =	sld [smem:$0x3F9A];
	s0 =	simm.s32 @p1 $0x1  }
0x15: {  	[smem:$0x3FB7] =	sst s0;
	s0 =	simm.s32 @!p2 $0x0  }
0x16: {  	s3 =	sld [smem:$0x3FDB];
	s0 =	simm.s32 @p2 $0x1  }
0x17: {  	s4 =	simm.s32 $0x1BF5;
	[smem:$0x3FB9] =	sst s0  }
0x18: {  	s0 =	sld [smem:$0x3F9C];
	_ =	swait.ge [sflag:s4], $0x0  }
0x19: {  	s7 =	sld [smem:$0x3F9D]  }
0x1a: {  	s8 =	sadd.s32 $0xFFFFE003, lr  }
0x1b: {  	s9 =	sadd.s32 $0xFFFFFEF7, lr;
	s5 =	simm.s32 $0xFFFFFFFF;
	p2 =	slt.u32 s8, $0xFFFFF086  }
0x1c: {  	p1 =	slt.u32 s9, $0xF7A;
	s5 =	simm.s32 @!p2 $0x0  }
0x1d: {  	s5 =	simm.s32 @p1 $0x1;
	p0 =	seq.s32 s7, s2  }
0x1e: {  	s7 =	smul.u32 @!p0 $0xF7A, s2;
	p2 =	seq.s32 @!p0 s5, $0x0  }
0x1f: {  	s9 =	smul.u32 $0xF7A, s1;
	s8 =	simm.s32 @!p0 $0x1BF5;
	p2 =	por !p2, p0  }
0x20: {  	[sflag:s8] =	ssyncset.s32 @!p0 $0xFFFFF086;
	s6 =	sadd.s32 @!p0 s3, s7;
	s7 =	simm.s32 @!p0 $0x108  }
0x21: {  	s3 =	sadd.s32 s3, s9;
	s6 =	sadd.s32 @!p0 $0x88, s6;
	s7 =	simm.s32 @p2 $0x1082  }
0x22: {  	[simem:s7], [sflag:s8] =	dma.local @!p0 [hbm:s6], $0xF7A  }
0x23: {  	s9 =	sor.u32 $0xD0000000, s2;
	s6 =	simm.s32 $0x108;
	_ =	swait.ge @!p0 [sflag:s8], $0x0  }
0x24: {  	s3 =	sadd.s32 $0x88, s3;
	s6 =	simm.s32 @!p1 $0x1082;
	[sflag:s4] =	ssyncset.s32 $0xFFFFF086  }
0x25: {  	[simem:s6], [sflag:s4] =	dma.local [hbm:s3], $0xF7A  }
0x26: {  	[smem:$0x3F9D] =	sst s1;
	(tag) =	ssettag s2;
	_ =	strace s9  }
0x27: {  	s1 =	sld [smem:$0x3FAD]  }
0x28: {  	s2 =	sld [smem:$0x3FAE]  }
0x29: {  	s4 =	sld [smem:$0x3FB0]  }
0x2a: {  	p0 =	seq.s32 s5, $0x0;
	s5 =	sld [smem:$0x3FB1]  }
0x2b: {  	s6 =	sld [smem:$0x3FB2]  }
0x2c: {  	s7 =	sld [smem:$0x3FB3]  }
0x2d: {  	s3 =	simm.s32 $0x108;
	s8 =	sld [smem:$0x3FB4]  }
0x2e: {  	s3 =	simm.s32 @!p0 $0x1082;
	s9 =	sld [smem:$0x3FB5]  }
0x2f: {  	lr =	sadd.s32 s0, s3;
	s0 =	sld [smem:$0x3FAC]  }
0x30: {  	s3 =	sld [smem:$0x3FAF]  }
0x31: {  	[smem:$0x3FB8] =	sst s10  }
0x32: {  	s10 =	sld [smem:$0x3FB6];
	_ =	sdelay $0x3  }
0x33: {  	p0 =	seq.s32 s10, $0x1;
	s10 =	sld [smem:$0x3FB8];
	_ =	sdelay $0x3  }
0x34: {  	[smem:$0x3FB8] =	sst s10  }
0x35: {  	s10 =	sld [smem:$0x3FB7];
	_ =	sdelay $0x3  }
0x36: {  	p1 =	seq.s32 s10, $0x1;
	s10 =	sld [smem:$0x3FB8];
	_ =	sdelay $0x3  }
0x37: {  	[smem:$0x3FB8] =	sst s10  }
0x38: {  	s10 =	sld [smem:$0x3FB9]  }
0x39: {  	_ = 	snop;
	(pc) =	sbr.ind lr, $3  }
0x3a: {  	_ = 	snop  }
0x3b: {  	_ = 	snop  }
0x3c: {  	p2 =	seq.s32 s10, $0x1;
	s10 =	sld [smem:$0x3FB8]  }
0x3d: {  	_ =	shalt  }
0x3e: {  	_ =	shalt  }
0x3f: {  	_ =	shalt  }
0x40: {  	_ =	shalt  }
0x41: {  	_ =	shalt  }
0x42: {  	_ =	shalt  }
0x43: {  	_ =	shalt  }
0x44: {  	_ =	shalt  }
0x45: {  	_ =	shalt  }
0x46: {  	_ =	shalt  }
0x47: {  	_ =	shalt  }
0x48: {  	_ =	shalt  }
0x49: {  	_ =	shalt  }
0x4a: {  	_ =	shalt  }
0x4b: {  	_ =	shalt  }
0x4c: {  	_ =	shalt  }
0x4d: {  	_ =	shalt  }
0x4e: {  	_ =	shalt  }
0x4f: {  	_ =	shalt  }
0x50: {  	_ =	shalt  }
0x51: {  	_ =	shalt  }
0x52: {  	_ =	shalt  }
0x53: {  	_ =	shalt  }
0x54: {  	_ =	shalt  }
0x55: {  	_ =	shalt  }
0x56: {  	_ =	shalt  }
0x57: {  	_ =	shalt  }
0x58: {  	_ =	shalt  }
0x59: {  	_ =	shalt  }
0x5a: {  	_ =	shalt  }
0x5b: {  	_ =	shalt  }
0x5c: {  	_ =	shalt  }
0x5d: {  	_ =	shalt  }
0x5e: {  	_ =	shalt  }
0x5f: {  	_ =	shalt  }
0x60: {  	_ =	shalt  }
0x61: {  	_ =	shalt  }
0x62: {  	_ =	shalt  }
0x63: {  	_ =	shalt  }
0x64: {  	_ =	shalt  }
0x65: {  	_ =	shalt  }
0x66: {  	_ =	shalt  }
0x67: {  	_ =	shalt  }
0x68: {  	_ =	shalt  }
0x69: {  	_ =	shalt  }
0x6a: {  	_ =	shalt  }
0x6b: {  	_ =	shalt  }
0x6c: {  	_ =	shalt  }
0x6d: {  	_ =	shalt  }
0x6e: {  	_ =	shalt  }
0x6f: {  	_ =	shalt  }
0x70: {  	_ =	shalt  }
0x71: {  	_ =	shalt  }
0x72: {  	_ =	shalt  }
0x73: {  	_ =	shalt  }
0x74: {  	_ =	shalt  }
0x75: {  	_ =	shalt  }
0x76: {  	_ =	shalt  }
0x77: {  	_ =	shalt  }
0x78: {  	_ =	shalt  }
0x79: {  	_ =	shalt  }
0x7a: {  	_ =	shalt  }
0x7b: {  	_ =	shalt  }
0x7c: {  	_ =	shalt  }
0x7d: {  	_ =	shalt  }
0x7e: {  	_ =	shalt  }
0x7f: {  	_ =	shalt  }
0x80: {  	_ =	shalt  }
0x81: {  	_ =	shalt  }
0x82: {  	_ =	shalt  }
0x83: {  	_ =	shalt  }
0x84: {  	_ =	shalt  }
0x85: {  	_ =	shalt  }
0x86: {  	_ =	shalt  }
0x87: {  	_ =	shalt  }
.Lfunc_end0:
.L_simem_size_0:
called_computation_lowered:
.L_overlay_start_0:
0x88: {  	s2 =	sld [smem:$0x3FD9]  }
0x89: {  	s3 =	sld [smem:$0x3FFE];
	_ =	sdelay $0x1  }
0x8a: {  	s1 =	srdreg.scid  }
0x8b: {  	s0 =	sand.u32 $0x1, s1  }
0x8c: {  	s17 =	sshll.u32 s0, $0xA;
	s2 =	sadd.s32 s3, s2  }
0x8d: {  	s2 =	sadd.s32 s2, s17  }
0x8e: {  	[smem:$0x3FC4] =	sst s2  }
0x8f: {  	_ = 	snop  }
0x90: {  	s2 =	sld [smem:$0x3FD0];
	(tm) =	ssettm $0x1  }
0x91: {  	s18 =	sld [smem:$0x3FFB];
	_ =	sdelay $0x3  }
0x92: {  	_ =	strace s18  }
0x93: {  	s3 =	sld [smem:$0x3FFC];
	_ =	sdelay $0x3  }
0x94: {  	_ =	strace s3  }
0x95: {  	s3 =	sld [smem:$0x3FFD];
	_ =	sdelay $0x3  }
0x96: {  	_ =	strace s3  }
0x97: {  	_ =	strace $0x8FFFFFFF  }
0x98: {  	s19 =	sld [smem:$0x3FDB];
	_ =	sdelay $0x1  }
0x99: {  	s4 =	simm.s32 $_scs_section_size  }
0x9a: {  	s5 =	simm.s32 $_size__tile_overlayer_lowered;
	s6 =	simm.s32 $_tile_overlayer_lowered  }
0x9b: {  	s22 =	simm.s32 $0x1BFF;
	s21 =	sshll.u32 s6, $0x1;
	s3 =	sadd.s32 s4, s19  }
0x9c: {  	s7 =	simm.s32 $0x0;
	s20 =	sshll.u32 s5, $0x1;
	s5 =	sadd.s32 s21, s3  }
0x9d: {  	[timem:s7], [sflag:s22] =	dma.local [hbm:s5], s20  }
0x9e: {  	_ =	swait.ge [sflag:s22], s20  }
0x9f: {  	s4 =	ssub.s32 $0x0, s20;
	[sflag:s22] =	ssyncset.done $0x0  }
0xa0: {  	[sflag:s22] =	ssyncadd.s32 s4;
	_ =	sdelay $0x1  }
0xa1: {  	s23 =	simm.s32 $0x1B8B  }
0xa2: {  	_ =	swait.ge [sflag:s23], $0x1  }
0xa3: {  	[sflag:s23] =	ssyncset.done $0x0  }
0xa4: {  	s25 =	simm.s32 $0x1B8E;
	s24 =	sld [smem:$0x3FFE];
	[sflag:s23] =	ssyncadd.s32 $0xFFFFFFFF  }
0xa5: {  	s26 =	simm.s32 $execute0_lowered;
	[smem:$0x3FD2] =	sst s25  }
0xa6: {  	s5 =	sshll.u32 s26, $0x1;
	_ =	strace $0x80000046;
	[dreg:$0x1] =	wrdreg $0xFFFFFFFF  }
0xa7: {  	s28 =	simm.s32 $_size_execute0_lowered;
	s3 =	sadd.s32 s3, s5;
	[dreg:$0x0] =	wrdreg $0x0  }
0xa8: {  	s5 =	sshll.u32 s28, $0x1;
	[dreg:$0x2] =	wrdreg s3  }
0xa9: {  	[dreg:$0x3] =	wrdreg s5  }
0xaa: {  	[dreg:$0x4] =	wrdreg $0xC0  }
0xab: {  	_ =	task [dreg:s7], $0x5FFFF  }
0xac: {  	[dreg:$0x1] =	wrdreg $0xFFFFFFFF  }
0xad: {  	[dreg:$0x0] =	wrdreg $0x60  }
0xae: {  	[dreg:$0x2] =	wrdreg s24  }
0xaf: {  	[dreg:$0x3] =	wrdreg s2  }
0xb0: {  	[dreg:$0x4] =	wrdreg $0xBA000  }
0xb1: {  	[dreg:$0x5] =	wrdreg $0x9  }
0xb2: {  	_ =	task.clear_ibuf [dreg:s7], $0x6FFFF;
	_ =	strace $0x90000046  }
0xb3: {  	s29 =	simm.s32 $0x9;
	_ =	strace $0x80000048  }
0xb4: {  	_ =	swait.ge [sflag:s29], $0x1  }
0xb5: {  	[sflag:s29] =	ssyncadd.s32 $0xFFFFFFFF  }
0xb6: {  	_ =	strace $0x90000048  }
0xb7: {  	_ =	sfence  }
0xb8: {  	s30 =	sld [smem:$0x0];
	_ =	sdelay $0x2  }
0xb9: {  	s31 =	sshll.u32 s1, $0xD;
	s1 =	sshrl.u32 s1, $0x2  }
0xba: {  	s3 =	sand.u32 $0x4000, s31;
	s1 =	sadd.s32 s1, s30  }
0xbb: {  	s0 =	sor.u32 s3, s0;
	s1 =	sshll.u32 s1, $0x11  }
0xbc: {  	s0 =	sor.u32 s1, s0  }
0xbd: {  	s0 =	sadd.s32 $0x8F2B, s0  }
0xbe: {  	[sflag:s0] =	ssyncadd.remote.s32 $0x1  }
0xbf: {  	_ =	sfence.sel $0xFFFF  }
0xc0: {  	[dreg:$0x0] =	wrdreg $0xFFFFFFFF;
	(pc) =	sbr.abs _section_cstart, $3  }
0xc1: {  	[dreg:$0x1] =	wrdreg $0xFFFFFFFF  }
0xc2: {  	_ =	task.clear_ibuf [dreg:s7], $0x2FFFF;
	_ =	strace $0x9FFFFFFF  }
0xc3: {  	(tm) =	ssettm $0x7FFFFFFF  }
tec
execute0_lowered:
.L_overlay_start_1:
0x0: {  	(tag) =	ssettag $0x1  }
0x1: {  	s0 =	rddreg [dreg:$0x0]  }
0x2: {  	s2 =	rddreg [dreg:$0x1]  }
0x3: {  	s1 =	rddreg [dreg:$0x2];
	s3 =	srdreg.scid  }
0x4: {  	s13 =	stileid.u32;
	s21 =	simm.s32 $0x80;
	s22 =	simm.s32 $0x180  }
0x5: {  	s23 =	simm.s32 $0x280;
	s24 =	simm.s32 $0x380;
	s25 =	simm.s32 $0x480  }
0x6: {  	s26 =	simm.s32 $0x580;
	s28 =	simm.s32 $0x500;
	s29 =	simm.s32 $0x3  }
0x7: {  	s30 =	simm.s32 $0x7E00;
	s31 =	simm.s32 $0x8;
	s7 =	smul.u32 $0x13C00, s13  }
0x8: {  	s5 =	sand.u32 $0x1, s3;
	s3 =	simm.s32 $0x0;
	s9 =	smul.u32 $0x4F000, s13  }
0x9: {  	s4 =	sadd.s32 $0xA00, s0;
	s8 =	sadd.s32 $0x28200, s0;
	s11 =	smul.u32 $0x2780, s13  }
0xa: {  	s17 =	smul.u32 $0xA80, s13;
	s20 =	sshll.u32 s13, $0x6;
	[smem:$0x7FF] =	sst s3  }
0xb: {  	s6 =	smul.u32 $0x13C000, s5;
	_ =	strace $0x80000047;
	[dreg:$0x11] =	wrdreg s20  }
0xc: {  	s12 =	sshll.u32 s5, $0x4;
	s14 =	ssub.s32 $0x2, s5;
	[dreg:$0x4] =	wrdreg s21  }
0xd: {  	s16 =	smul.u32 $0xA800, s5;
	p0 =	sne.s32 s5, $0x0;
	[dreg:$0x5] =	wrdreg s22  }
0xe: {  	s10 =	sshrl.u32 s14, $0x1;
	s9 =	sshrl.u32 s9, $0x2;
	[dreg:$0x6] =	wrdreg s23  }
0xf: {  	s11 =	sadd.s32 s4, s11;
	s21 =	simm.s32 $0x600;
	[dreg:$0x7] =	wrdreg s24  }
0x10: {  	[dreg:$0x8] =	wrdreg s25;
	s23 =	simm.s32 $0x400;
	s24 =	simm.s32 $0x2  }
0x11: {  	[dreg:$0x9] =	wrdreg s26;
	s25 =	simm.s32 $0x4200;
	s26 =	simm.s32 $0x7  }
0x12: {  	s6 =	sadd.s32 s7, s6;
	s7 =	sor.u32 s13, s12;
	s9 =	sadd.s32 s9, s1  }
0x13: {  	s19 =	sadd.s32 s16, s2;
	s11 =	smov.u32 @p0 s8;
	s16 =	simm.s32 $0x100  }
0x14: {  	s8 =	simm.s32 $0xB;
	s6 =	sshrl.u32 s6, $0x3;
	s7 =	smul.u32 $0xA80, s7  }
0x15: {  	[dreg:$0xb] =	wrdreg s11;
	s13 =	sshrl.u32 s9, $0x3;
	s9 =	simm.s32 $0x5  }
0x16: {  	s0 =	sadd.s32 s6, s0;
	[dreg:$0x13] =	wrdreg s13;
	s15 =	sadd.s32 s2, s7  }
0x17: {  	s6 =	ssub.s32 s14, s10;
	s0 =	sadd.s32 $0x2AA00, s0;
	[dreg:$0xa] =	wrdreg s15  }
0x18: {  	s11 =	simm.s32 $0x6;
	s18 =	smax.u32 s6, $0x1;
	[dreg:$0xf] =	wrdreg s0  }
0x19: {  	s14 =	simm.s32 $0x0;
	s7 =	sadd.s32 $0x20, s15;
	[dreg:$0x10] =	wrdreg s18  }
0x1a: {  	s2 =	simm.s32 $0x4;
	s12 =	sadd.s32 $0x40, s15;
	[dreg:$0xc] =	wrdreg s7  }
0x1b: {  	s10 =	sadd.s32 $0x60, s15;
	s0 =	sor.u32 $0x1C0D, s20;
	[dreg:$0xd] =	wrdreg s12  }
0x1c: {  	s18 =	simm.s32 $0x300;
	s20 =	simm.s32 $0x78;
	[dreg:$0xe] =	wrdreg s10  }
0x1d: {  	s12 =	sadd.s32 s17, s19;
	[dreg:$0x12] =	wrdreg s0;
	s17 =	simm.s32 $0x200  }
0x1e: {  	s0 =	simm.s32 $0xA;
	s7 =	simm.s32 $0x9;
	s10 =	simm.s32 $0xC  }
.LBB2_1:
0x1f: {  	[dreg:$0x14] =	wrdreg s14  }
0x20: {  	s5 =	rddreg [dreg:$0xb]  }
0x21: {  	s6 =	rddreg [dreg:$0x12]  }
0x22: {  	[spmem:s13], [sflag:s6] =	dma.local [hbm:s5], $0x2780  }
0x23: {  	s5 =	rddreg [dreg:$0xa]  }
0x24: {  	[tilespmem:s3], [sflag:$0x1] =	stream.linear.gather [hbm4b:s5+s3], $0x100, $0x38;
	[tilespmem:$0x1F600] =	vst v63  }
0x25: {  	s19 =	rddreg [dreg:$0xc]  }
0x26: {  	[tilespmem:s16], [sflag:$0x2] =	stream.linear.gather [hbm4b:s19+s3], $0x100, $0x38;
	[tilespmem:$0x1F600] =	vst v63  }
0x27: {  	s22 =	rddreg [dreg:$0xd]  }
0x28: {  	[tilespmem:s17], [sflag:$0x3] =	stream.linear.gather [hbm4b:s22+s3], $0x100, $0x38;
	[tilespmem:$0x1F600] =	vst v63  }
0x29: {  	s13 =	simm.s32 $0x1;
	s6 =	rddreg [dreg:$0xe]  }
0x2a: {  	[tilespmem:s18], [sflag:$0x4] =	stream.linear.gather [hbm4b:s6+s3], $0x100, $0x38;
	[tilespmem:$0x1F600] =	vst v63  }
0x2b: {  	_ =	swait.ge [sflag:s13], $0x100  }
0x2c: {  	[sflag:s13] =	ssyncset.done $0x0  }
0x2d: {  	s14 =	simm.s32 $0xD;
	[sflag:s13] =	ssyncadd.s32 $0xFFFFFF00  }
0x2e: {  	[tilespmem:s21], [sflag:$0x7] =	stream.indirect.gather [hbm4b:s4+s20], $0x80, s3, s20, $0xb8;
	[tilespmem:$0x1F600] =	vst v63  }
0x2f: {  	_ =	swait.ge [sflag:s14], $0x2780  }
0x30: {  	p0 =	por $0x1, $0x1;
	[sflag:s14] =	ssyncset.done $0x0  }
0x31: {  	p0 =	por p0, p0;
	[sflag:s14] =	ssyncadd.s32 $0xFFFFD880  }
0x32: {  	s5 =	simm.s32 @!p0 $0xB;
	[bflag:$0x0] =	sbarrier.arrive $0xFFFF  }
0x33: {  	_ =	swait.ge @!p0 [sflag:s5], $0x3C00  }
0x34: {  	s15 =	sadd.s32 $0x0, s12;
	[sflag:s5] =	ssyncset.done @!p0 $0x0  }
0x35: {  	s19 =	sadd.s32 $0x80, s15;
	[sflag:s5] =	ssyncadd.s32 @!p0 $0xFFFFC400  }
0x36: {  	[tilespmem:s23], [sflag:$0x5] =	stream.linear.gather [hbm4b:s19+s3], $0x100, $0x38;
	[tilespmem:$0x1F600] =	vst v63  }
0x37: {  	_ =	swait.ge [sflag:s24], $0x100  }
0x38: {  	[sflag:s24] =	ssyncset.done $0x0  }
0x39: {  	[sflag:s24] =	ssyncadd.s32 $0xFFFFFF00  }
0x3a: {  	[tilespmem:s25], [sflag:$0x8] =	stream.indirect.gather [hbm4b:s4+s20], $0x80, s16, s20, $0xb8;
	[tilespmem:$0x1F600] =	vst v63  }
0x3b: {  	_ =	swait.ge [sflag:s26], $0x3C00  }
0x3c: {  	[sflag:s26] =	ssyncset.done $0x0  }
0x3d: {  	s19 =	simm.s32 @!p0 $0xC;
	s22 =	rddreg [dreg:$0x4];
	[sflag:s26] =	ssyncadd.s32 $0xFFFFC400  }
0x3e: {  	[spmem:s1] =	stream.indirect.scatter.add.f32 [tilespmem:s21], [sflag:$0xA], $0x80, s22, s20, $0xb8;
	[tilespmem:$0x1F600] =	vst v63  }
0x3f: {  	_ =	swait.ge @!p0 [sflag:s19], $0x3C00  }
0x40: {  	[sflag:s19] =	ssyncset.done @!p0 $0x0  }
0x41: {  	s6 =	sadd.s32 $0xA0, s15;
	[sflag:s19] =	ssyncadd.s32 @!p0 $0xFFFFC400  }
0x42: {  	[tilespmem:s28], [sflag:$0x6] =	stream.linear.gather [hbm4b:s6+s3], $0x100, $0x38;
	[tilespmem:$0x1F600] =	vst v63  }
0x43: {  	_ =	swait.ge [sflag:s29], $0x100  }
0x44: {  	[sflag:s29] =	ssyncset.done $0x0  }
0x45: {  	[sflag:s29] =	ssyncadd.s32 $0xFFFFFF00  }
0x46: {  	[tilespmem:s30], [sflag:$0x9] =	stream.indirect.gather [hbm4b:s4+s20], $0x80, s17, s20, $0xb8;
	[tilespmem:$0x1F600] =	vst v63  }
0x47: {  	_ =	swait.ge [sflag:s31], $0x3C00  }
0x48: {  	[sflag:s31] =	ssyncset.done $0x0  }
0x49: {  	s13 =	rddreg [dreg:$0x5];
	[sflag:s31] =	ssyncadd.s32 $0xFFFFC400  }
0x4a: {  	[spmem:s1] =	stream.indirect.scatter.add.f32 [tilespmem:s25], [sflag:$0xB], $0x80, s13, s20, $0xb8;
	[tilespmem:$0x1F600] =	vst v63  }
0x4b: {  	p0 =	por $0x0, $0x0;
	_ =	swait.ge [sflag:s0], $0x3C00  }
0x4c: {  	s5 =	sadd.s32 @!p0 $0x0, s12;
	[sflag:s0] =	ssyncset.done $0x0  }
0x4d: {  	s19 =	simm.s32 @!p0 $0x0;
	s6 =	sadd.s32 @!p0 $0xC0, s5;
	[sflag:s0] =	ssyncadd.s32 $0xFFFFC400  }
0x4e: {  	[tilespmem:s19], [sflag:$0x1] =	stream.linear.gather @!p0 [hbm4b:s6+s19], $0x100, $0x38;
	[tilespmem:$0x1F600] =	vst v63  }
0x4f: {  	_ =	swait.ge [sflag:s2], $0x100  }
0x50: {  	[sflag:s2] =	ssyncset.done $0x0  }
0x51: {  	[sflag:s2] =	ssyncadd.s32 $0xFFFFFF00  }
0x52: {  	[tilespmem:s21], [sflag:$0x7] =	stream.indirect.gather [hbm4b:s4+s20], $0x80, s18, s20, $0xb8;
	[tilespmem:$0x1F600] =	vst v63  }
0x53: {  	_ =	swait.ge [sflag:s7], $0x3C00  }
0x54: {  	[sflag:s7] =	ssyncset.done $0x0  }
0x55: {  	s14 =	rddreg [dreg:$0x6];
	[sflag:s7] =	ssyncadd.s32 $0xFFFFC400  }
0x56: {  	[spmem:s1] =	stream.indirect.scatter.add.f32 [tilespmem:s30], [sflag:$0xC], $0x80, s14, s20, $0xb8;
	[tilespmem:$0x1F600] =	vst v63  }
0x57: {  	_ =	swait.ge [sflag:s8], $0x3C00  }
0x58: {  	[sflag:s8] =	ssyncset.done $0x0  }
0x59: {  	s22 =	simm.s32 @!p0 $0x100;
	s6 =	sadd.s32 @!p0 $0xE0, s5;
	[sflag:s8] =	ssyncadd.s32 $0xFFFFC400  }
0x5a: {  	[tilespmem:s22], [sflag:$0x2] =	stream.linear.gather @!p0 [hbm4b:s6+s19], $0x100, $0x38;
	[tilespmem:$0x1F600] =	vst v63  }
0x5b: {  	_ =	swait.ge [sflag:s9], $0x100  }
0x5c: {  	[sflag:s9] =	ssyncset.done $0x0  }
0x5d: {  	[sflag:s9] =	ssyncadd.s32 $0xFFFFFF00  }
0x5e: {  	[tilespmem:s25], [sflag:$0x8] =	stream.indirect.gather [hbm4b:s4+s20], $0x80, s23, s20, $0xb8;
	[tilespmem:$0x1F600] =	vst v63  }
0x5f: {  	_ =	swait.ge [sflag:s26], $0x3C00  }
0x60: {  	[sflag:s26] =	ssyncset.done $0x0  }
0x61: {  	s15 =	rddreg [dreg:$0x7];
	[sflag:s26] =	ssyncadd.s32 $0xFFFFC400  }
0x62: {  	[spmem:s1] =	stream.indirect.scatter.add.f32 [tilespmem:s21], [sflag:$0xA], $0x80, s15, s20, $0xb8;
	[tilespmem:$0x1F600] =	vst v63  }
0x63: {  	_ =	swait.ge [sflag:s10], $0x3C00  }
0x64: {  	[sflag:s10] =	ssyncset.done $0x0  }
0x65: {  	s6 =	sadd.s32 @!p0 $0x100, s5;
	s22 =	simm.s32 @!p0 $0x200;
	[sflag:s10] =	ssyncadd.s32 $0xFFFFC400  }
0x66: {  	[tilespmem:s22], [sflag:$0x3] =	stream.linear.gather @!p0 [hbm4b:s6+s19], $0x100, $0x38;
	[tilespmem:$0x1F600] =	vst v63  }
0x67: {  	_ =	swait.ge [sflag:s11], $0x100  }
0x68: {  	[sflag:s11] =	ssyncset.done $0x0  }
0x69: {  	[sflag:s11] =	ssyncadd.s32 $0xFFFFFF00  }
0x6a: {  	[tilespmem:s30], [sflag:$0x9] =	stream.indirect.gather [hbm4b:s4+s20], $0x80, s28, s20, $0xb8;
	[tilespmem:$0x1F600] =	vst v63  }
0x6b: {  	_ =	swait.ge [sflag:s31], $0x3C00  }
0x6c: {  	[sflag:s31] =	ssyncset.done $0x0  }
0x6d: {  	s22 =	rddreg [dreg:$0x8];
	[sflag:s31] =	ssyncadd.s32 $0xFFFFC400  }
0x6e: {  	[spmem:s1] =	stream.indirect.scatter.add.f32 [tilespmem:s25], [sflag:$0xB], $0x80, s22, s20, $0xb8;
	[tilespmem:$0x1F600] =	vst v63  }
0x6f: {  	_ =	swait.ge [sflag:s0], $0x3C00  }
0x70: {  	[sflag:s0] =	ssyncset.done $0x0  }
0x71: {  	s5 =	sadd.s32 @!p0 $0x120, s5;
	s6 =	simm.s32 @!p0 $0x300;
	[sflag:s0] =	ssyncadd.s32 $0xFFFFC400  }
0x72: {  	[tilespmem:s6], [sflag:$0x4] =	stream.linear.gather @!p0 [hbm4b:s5+s19], $0x100, $0x38;
	[tilespmem:$0x1F600] =	vst v63  }
0x73: {  	s5 =	simm.s32 @!p0 $0x1  }
0x74: {  	_ =	swait.ge @!p0 [sflag:s5], $0x100  }
0x75: {  	[sflag:s5] =	ssyncset.done @!p0 $0x0  }
0x76: {  	s6 =	simm.s32 @!p0 $0x600;
	[sflag:s5] =	ssyncadd.s32 @!p0 $0xFFFFFF00;
	s5 =	simm.s32 @!p0 $0x78  }
0x77: {  	[tilespmem:s6], [sflag:$0x7] =	stream.indirect.gather @!p0 [hbm4b:s4+s5], $0x80, s19, s5, $0xb8;
	[tilespmem:$0x1F600] =	vst v63  }
0x78: {  	p6 =	por $0x0, $0x0;
	_ =	swait.ge [sflag:s7], $0x3C00  }
0x79: {  	s6 =	simm.s32 $0xC0;
	s5 =	simm.s32 $0x180;
	[sflag:s7] =	ssyncset.done $0x0  }
0x7a: {  	p0 =	por p6, p6;
	s19 =	rddreg [dreg:$0x9];
	[sflag:s7] =	ssyncadd.s32 $0xFFFFC400  }
.LBB2_2:
0x7b: {  	[spmem:s1] =	stream.indirect.scatter.add.f32 [tilespmem:s30], [sflag:$0xC], $0x80, s19, s20, $0xb8;
	[tilespmem:$0x1F600] =	vst v63  }
0x7c: {  	s22 =	simm.s32 @!p0 $0xB  }
0x7d: {  	_ =	swait.ge @!p0 [sflag:s22], $0x3C00  }
0x7e: {  	s14 =	sadd.s32 s6, s12;
	[sflag:s22] =	ssyncset.done @!p0 $0x0  }
0x7f: {  	s15 =	sadd.s32 $0x80, s14;
	[sflag:s22] =	ssyncadd.s32 @!p0 $0xFFFFC400  }
0x80: {  	[tilespmem:s23], [sflag:$0x5] =	stream.linear.gather [hbm4b:s15+s3], $0x100, $0x38;
	[tilespmem:$0x1F600] =	vst v63  }
0x81: {  	_ =	swait.ge [sflag:s24], $0x100  }
0x82: {  	[sflag:s24] =	ssyncset.done $0x0  }
0x83: {  	[sflag:s24] =	ssyncadd.s32 $0xFFFFFF00  }
0x84: {  	[tilespmem:s25], [sflag:$0x8] =	stream.indirect.gather [hbm4b:s4+s20], $0x80, s16, s20, $0xb8;
	[tilespmem:$0x1F600] =	vst v63  }
0x85: {  	_ =	swait.ge [sflag:s26], $0x3C00  }
0x86: {  	[sflag:s26] =	ssyncset.done $0x0  }
0x87: {  	s15 =	simm.s32 @!p0 $0xC;
	s13 =	rddreg [dreg:$0x4];
	[sflag:s26] =	ssyncadd.s32 $0xFFFFC400  }
0x88: {  	[spmem:s1] =	stream.indirect.scatter.add.f32 [tilespmem:s21], [sflag:$0xA], $0x80, s13, s20, $0xb8;
	[tilespmem:$0x1F600] =	vst v63  }
0x89: {  	_ =	swait.ge @!p0 [sflag:s15], $0x3C00  }
0x8a: {  	[sflag:s15] =	ssyncset.done @!p0 $0x0  }
0x8b: {  	s14 =	sadd.s32 $0xA0, s14;
	[sflag:s15] =	ssyncadd.s32 @!p0 $0xFFFFC400  }
0x8c: {  	[tilespmem:s28], [sflag:$0x6] =	stream.linear.gather [hbm4b:s14+s3], $0x100, $0x38;
	[tilespmem:$0x1F600] =	vst v63  }
0x8d: {  	_ =	swait.ge [sflag:s29], $0x100  }
0x8e: {  	[sflag:s29] =	ssyncset.done $0x0  }
0x8f: {  	[sflag:s29] =	ssyncadd.s32 $0xFFFFFF00  }
0x90: {  	[tilespmem:s30], [sflag:$0x9] =	stream.indirect.gather [hbm4b:s4+s20], $0x80, s17, s20, $0xb8;
	[tilespmem:$0x1F600] =	vst v63  }
0x91: {  	_ =	swait.ge [sflag:s31], $0x3C00  }
0x92: {  	s19 =	smov.u32 s5;
	[sflag:s31] =	ssyncset.done $0x0  }
0x93: {  	p2 =	seq.s32 s19, $0x0;
	s13 =	rddreg [dreg:$0x5];
	[sflag:s31] =	ssyncadd.s32 $0xFFFFC400  }
0x94: {  	[spmem:s1] =	stream.indirect.scatter.add.f32 [tilespmem:s25], [sflag:$0xB], $0x80, s13, s20, $0xb8;
	[tilespmem:$0x1F600] =	vst v63  }
0x95: {  	p0 =	por p2, p2;
	p2 =	seq.s32 s6, $0x9C0;
	_ =	swait.ge [sflag:s0], $0x3C00  }
0x96: {  	s14 =	sadd.s32 @!p2 s6, s12;
	s6 =	smov.u32 s19;
	[sflag:s0] =	ssyncset.done $0x0  }
0x97: {  	s19 =	simm.s32 @!p2 $0x0;
	s15 =	sadd.s32 @!p2 $0xC0, s14;
	[sflag:s0] =	ssyncadd.s32 $0xFFFFC400  }
0x98: {  	[tilespmem:s19], [sflag:$0x1] =	stream.linear.gather @!p2 [hbm4b:s15+s19], $0x100, $0x38;
	[tilespmem:$0x1F600] =	vst v63  }
0x99: {  	_ =	swait.ge [sflag:s2], $0x100  }
0x9a: {  	[sflag:s2] =	ssyncset.done $0x0  }
0x9b: {  	[sflag:s2] =	ssyncadd.s32 $0xFFFFFF00  }
0x9c: {  	[tilespmem:s21], [sflag:$0x7] =	stream.indirect.gather [hbm4b:s4+s20], $0x80, s18, s20, $0xb8;
	[tilespmem:$0x1F600] =	vst v63  }
0x9d: {  	_ =	swait.ge [sflag:s7], $0x3C00  }
0x9e: {  	s22 =	sadd.s32 @!p2 $0x120, s14;
	s13 =	sadd.s32 @!p2 $0x100, s14;
	[sflag:s7] =	ssyncset.done $0x0  }
0x9f: {  	s15 =	sadd.s32 @!p2 $0xE0, s14;
	s14 =	rddreg [dreg:$0x6];
	[sflag:s7] =	ssyncadd.s32 $0xFFFFC400  }
0xa0: {  	[spmem:s1] =	stream.indirect.scatter.add.f32 [tilespmem:s30], [sflag:$0xC], $0x80, s14, s20, $0xb8;
	[tilespmem:$0x1F600] =	vst v63  }
0xa1: {  	_ =	swait.ge [sflag:s8], $0x3C00  }
0xa2: {  	[sflag:s8] =	ssyncset.done $0x0  }
0xa3: {  	s14 =	simm.s32 @!p2 $0x100;
	[sflag:s8] =	ssyncadd.s32 $0xFFFFC400  }
0xa4: {  	[tilespmem:s14], [sflag:$0x2] =	stream.linear.gather @!p2 [hbm4b:s15+s19], $0x100, $0x38;
	[tilespmem:$0x1F600] =	vst v63  }
0xa5: {  	_ =	swait.ge [sflag:s9], $0x100  }
0xa6: {  	[sflag:s9] =	ssyncset.done $0x0  }
0xa7: {  	[sflag:s9] =	ssyncadd.s32 $0xFFFFFF00  }
0xa8: {  	[tilespmem:s25], [sflag:$0x8] =	stream.indirect.gather [hbm4b:s4+s20], $0x80, s23, s20, $0xb8;
	[tilespmem:$0x1F600] =	vst v63  }
0xa9: {  	_ =	swait.ge [sflag:s26], $0x3C00  }
0xaa: {  	[sflag:s26] =	ssyncset.done $0x0  }
0xab: {  	s15 =	rddreg [dreg:$0x7];
	[sflag:s26] =	ssyncadd.s32 $0xFFFFC400  }
0xac: {  	[spmem:s1] =	stream.indirect.scatter.add.f32 [tilespmem:s21], [sflag:$0xA], $0x80, s15, s20, $0xb8;
	[tilespmem:$0x1F600] =	vst v63  }
0xad: {  	_ =	swait.ge [sflag:s10], $0x3C00  }
0xae: {  	[sflag:s10] =	ssyncset.done $0x0  }
0xaf: {  	s14 =	simm.s32 @!p2 $0x200;
	[sflag:s10] =	ssyncadd.s32 $0xFFFFC400  }
0xb0: {  	[tilespmem:s14], [sflag:$0x3] =	stream.linear.gather @!p2 [hbm4b:s13+s19], $0x100, $0x38;
	[tilespmem:$0x1F600] =	vst v63  }
0xb1: {  	_ =	swait.ge [sflag:s11], $0x100  }
0xb2: {  	[sflag:s11] =	ssyncset.done $0x0  }
0xb3: {  	[sflag:s11] =	ssyncadd.s32 $0xFFFFFF00  }
0xb4: {  	[tilespmem:s30], [sflag:$0x9] =	stream.indirect.gather [hbm4b:s4+s20], $0x80, s28, s20, $0xb8;
	[tilespmem:$0x1F600] =	vst v63  }
0xb5: {  	_ =	swait.ge [sflag:s31], $0x3C00  }
0xb6: {  	[sflag:s31] =	ssyncset.done $0x0  }
0xb7: {  	s15 =	rddreg [dreg:$0x8];
	[sflag:s31] =	ssyncadd.s32 $0xFFFFC400  }
0xb8: {  	[spmem:s1] =	stream.indirect.scatter.add.f32 [tilespmem:s25], [sflag:$0xB], $0x80, s15, s20, $0xb8;
	[tilespmem:$0x1F600] =	vst v63  }
0xb9: {  	_ =	swait.ge [sflag:s0], $0x3C00  }
0xba: {  	[sflag:s0] =	ssyncset.done $0x0  }
0xbb: {  	s13 =	simm.s32 @!p2 $0x300;
	s14 =	simm.s32 @!p2 $0x1;
	[sflag:s0] =	ssyncadd.s32 $0xFFFFC400  }
0xbc: {  	[tilespmem:s13], [sflag:$0x4] =	stream.linear.gather @!p2 [hbm4b:s22+s19], $0x100, $0x38;
	[tilespmem:$0x1F600] =	vst v63  }
0xbd: {  	s5 =	sadd.s32 $0xC0, s5;
	_ =	swait.ge @!p2 [sflag:s14], $0x100  }
0xbe: {  	p1 =	sne.s32 s5, $0xA80;
	s13 =	simm.s32 @!p2 $0x78;
	[sflag:s14] =	ssyncset.done @!p2 $0x0  }
.Ltmp0:
0xbf: {  	[sflag:s14] =	ssyncadd.s32 @!p2 $0xFFFFFF00;
	s14 =	simm.s32 @!p2 $0x600;
	(pc) =	sbr.rel @p1 .LBB2_2-.Ltmp0, $4  }
0xc0: {  	[tilespmem:s14], [sflag:$0x7] =	stream.indirect.gather @!p2 [hbm4b:s4+s13], $0x80, s19, s13, $0xb8;
	[tilespmem:$0x1F600] =	vst v63  }
0xc1: {  	_ =	swait.ge [sflag:s7], $0x3C00  }
0xc2: {  	[sflag:s7] =	ssyncset.done $0x0  }
0xc3: {  	s19 =	rddreg [dreg:$0x9];
	[sflag:s7] =	ssyncadd.s32 $0xFFFFC400  }
0xc4: {  	[spmem:s1] =	stream.indirect.scatter.add.f32 [tilespmem:s30], [sflag:$0xC], $0x80, s19, s20, $0xb8;
	[tilespmem:$0x1F600] =	vst v63  }
0xc5: {  	s5 =	simm.s32 @!p0 $0xB  }
0xc6: {  	_ =	swait.ge @!p0 [sflag:s5], $0x3C00  }
0xc7: {  	s13 =	sadd.s32 s6, s12;
	[sflag:s5] =	ssyncset.done @!p0 $0x0  }
0xc8: {  	s19 =	sadd.s32 $0x80, s13;
	[sflag:s5] =	ssyncadd.s32 @!p0 $0xFFFFC400  }
0xc9: {  	[tilespmem:s23], [sflag:$0x5] =	stream.linear.gather [hbm4b:s19+s3], $0x100, $0x38;
	[tilespmem:$0x1F600] =	vst v63  }
0xca: {  	_ =	swait.ge [sflag:s24], $0x100  }
0xcb: {  	[sflag:s24] =	ssyncset.done $0x0  }
0xcc: {  	[sflag:s24] =	ssyncadd.s32 $0xFFFFFF00  }
0xcd: {  	[tilespmem:s25], [sflag:$0x8] =	stream.indirect.gather [hbm4b:s4+s20], $0x80, s16, s20, $0xb8;
	[tilespmem:$0x1F600] =	vst v63  }
0xce: {  	_ =	swait.ge [sflag:s26], $0x3C00  }
0xcf: {  	[sflag:s26] =	ssyncset.done $0x0  }
0xd0: {  	s14 =	simm.s32 @!p0 $0xC;
	s22 =	rddreg [dreg:$0x4];
	[sflag:s26] =	ssyncadd.s32 $0xFFFFC400  }
0xd1: {  	[spmem:s1] =	stream.indirect.scatter.add.f32 [tilespmem:s21], [sflag:$0xA], $0x80, s22, s20, $0xb8;
	[tilespmem:$0x1F600] =	vst v63  }
0xd2: {  	_ =	swait.ge @!p0 [sflag:s14], $0x3C00  }
0xd3: {  	[sflag:s14] =	ssyncset.done @!p0 $0x0  }
0xd4: {  	s13 =	sadd.s32 $0xA0, s13;
	[sflag:s14] =	ssyncadd.s32 @!p0 $0xFFFFC400  }
0xd5: {  	[tilespmem:s28], [sflag:$0x6] =	stream.linear.gather [hbm4b:s13+s3], $0x100, $0x38;
	[tilespmem:$0x1F600] =	vst v63  }
0xd6: {  	_ =	swait.ge [sflag:s29], $0x100  }
0xd7: {  	[sflag:s29] =	ssyncset.done $0x0  }
0xd8: {  	[sflag:s29] =	ssyncadd.s32 $0xFFFFFF00  }
0xd9: {  	[tilespmem:s30], [sflag:$0x9] =	stream.indirect.gather [hbm4b:s4+s20], $0x80, s17, s20, $0xb8;
	[tilespmem:$0x1F600] =	vst v63  }
0xda: {  	_ =	swait.ge [sflag:s31], $0x3C00  }
0xdb: {  	[sflag:s31] =	ssyncset.done $0x0  }
0xdc: {  	s14 =	rddreg [dreg:$0x5];
	[sflag:s31] =	ssyncadd.s32 $0xFFFFC400  }
0xdd: {  	[spmem:s1] =	stream.indirect.scatter.add.f32 [tilespmem:s25], [sflag:$0xB], $0x80, s14, s20, $0xb8;
	[tilespmem:$0x1F600] =	vst v63  }
0xde: {  	p0 =	seq.s32 s6, $0x9C0;
	_ =	swait.ge [sflag:s0], $0x3C00  }
0xdf: {  	s5 =	sadd.s32 @!p0 s6, s12;
	[sflag:s0] =	ssyncset.done $0x0  }
0xe0: {  	s13 =	simm.s32 @!p0 $0x0;
	s6 =	sadd.s32 @!p0 $0xC0, s5;
	[sflag:s0] =	ssyncadd.s32 $0xFFFFC400  }
0xe1: {  	[tilespmem:s13], [sflag:$0x1] =	stream.linear.gather @!p0 [hbm4b:s6+s13], $0x100, $0x38;
	[tilespmem:$0x1F600] =	vst v63  }
0xe2: {  	_ =	swait.ge [sflag:s2], $0x100  }
0xe3: {  	[sflag:s2] =	ssyncset.done $0x0  }
0xe4: {  	[sflag:s2] =	ssyncadd.s32 $0xFFFFFF00  }
0xe5: {  	[tilespmem:s21], [sflag:$0x7] =	stream.indirect.gather [hbm4b:s4+s20], $0x80, s18, s20, $0xb8;
	[tilespmem:$0x1F600] =	vst v63  }
0xe6: {  	_ =	swait.ge [sflag:s7], $0x3C00  }
0xe7: {  	[sflag:s7] =	ssyncset.done $0x0  }
0xe8: {  	s15 =	rddreg [dreg:$0x6];
	[sflag:s7] =	ssyncadd.s32 $0xFFFFC400  }
0xe9: {  	[spmem:s1] =	stream.indirect.scatter.add.f32 [tilespmem:s30], [sflag:$0xC], $0x80, s15, s20, $0xb8;
	[tilespmem:$0x1F600] =	vst v63  }
0xea: {  	_ =	swait.ge [sflag:s8], $0x3C00  }
0xeb: {  	[sflag:s8] =	ssyncset.done $0x0  }
0xec: {  	s14 =	simm.s32 @!p0 $0x100;
	s6 =	sadd.s32 @!p0 $0xE0, s5;
	[sflag:s8] =	ssyncadd.s32 $0xFFFFC400  }
0xed: {  	[tilespmem:s14], [sflag:$0x2] =	stream.linear.gather @!p0 [hbm4b:s6+s13], $0x100, $0x38;
	[tilespmem:$0x1F600] =	vst v63  }
0xee: {  	_ =	swait.ge [sflag:s9], $0x100  }
0xef: {  	[sflag:s9] =	ssyncset.done $0x0  }
0xf0: {  	[sflag:s9] =	ssyncadd.s32 $0xFFFFFF00  }
0xf1: {  	[tilespmem:s25], [sflag:$0x8] =	stream.indirect.gather [hbm4b:s4+s20], $0x80, s23, s20, $0xb8;
	[tilespmem:$0x1F600] =	vst v63  }
0xf2: {  	_ =	swait.ge [sflag:s26], $0x3C00  }
0xf3: {  	[sflag:s26] =	ssyncset.done $0x0  }
0xf4: {  	s19 =	rddreg [dreg:$0x7];
	[sflag:s26] =	ssyncadd.s32 $0xFFFFC400  }
0xf5: {  	[spmem:s1] =	stream.indirect.scatter.add.f32 [tilespmem:s21], [sflag:$0xA], $0x80, s19, s20, $0xb8;
	[tilespmem:$0x1F600] =	vst v63  }
0xf6: {  	_ =	swait.ge [sflag:s10], $0x3C00  }
0xf7: {  	[sflag:s10] =	ssyncset.done $0x0  }
0xf8: {  	s6 =	sadd.s32 @!p0 $0x100, s5;
	s14 =	simm.s32 @!p0 $0x200;
	[sflag:s10] =	ssyncadd.s32 $0xFFFFC400  }
0xf9: {  	[tilespmem:s14], [sflag:$0x3] =	stream.linear.gather @!p0 [hbm4b:s6+s13], $0x100, $0x38;
	[tilespmem:$0x1F600] =	vst v63  }
0xfa: {  	_ =	swait.ge [sflag:s11], $0x100  }
0xfb: {  	[sflag:s11] =	ssyncset.done $0x0  }
0xfc: {  	[sflag:s11] =	ssyncadd.s32 $0xFFFFFF00  }
0xfd: {  	[tilespmem:s30], [sflag:$0x9] =	stream.indirect.gather [hbm4b:s4+s20], $0x80, s28, s20, $0xb8;
	[tilespmem:$0x1F600] =	vst v63  }
0xfe: {  	_ =	swait.ge [sflag:s31], $0x3C00  }
0xff: {  	[sflag:s31] =	ssyncset.done $0x0  }
0x100: {  	s22 =	rddreg [dreg:$0x8];
	[sflag:s31] =	ssyncadd.s32 $0xFFFFC400  }
0x101: {  	[spmem:s1] =	stream.indirect.scatter.add.f32 [tilespmem:s25], [sflag:$0xB], $0x80, s22, s20, $0xb8;
	[tilespmem:$0x1F600] =	vst v63  }
0x102: {  	_ =	swait.ge [sflag:s0], $0x3C00  }
0x103: {  	[sflag:s0] =	ssyncset.done $0x0  }
0x104: {  	s5 =	sadd.s32 @!p0 $0x120, s5;
	s6 =	simm.s32 @!p0 $0x300;
	[sflag:s0] =	ssyncadd.s32 $0xFFFFC400  }
0x105: {  	[tilespmem:s6], [sflag:$0x4] =	stream.linear.gather @!p0 [hbm4b:s5+s13], $0x100, $0x38;
	[tilespmem:$0x1F600] =	vst v63  }
0x106: {  	s5 =	simm.s32 @!p0 $0x1  }
0x107: {  	_ =	swait.ge @!p0 [sflag:s5], $0x100  }
0x108: {  	[sflag:s5] =	ssyncset.done @!p0 $0x0  }
0x109: {  	s6 =	simm.s32 @!p0 $0x600;
	[sflag:s5] =	ssyncadd.s32 @!p0 $0xFFFFFF00;
	s5 =	simm.s32 @!p0 $0x78  }
0x10a: {  	[tilespmem:s6], [sflag:$0x7] =	stream.indirect.gather @!p0 [hbm4b:s4+s5], $0x80, s13, s5, $0xb8;
	[tilespmem:$0x1F600] =	vst v63  }
0x10b: {  	_ =	swait.ge [sflag:s7], $0x3C00  }
0x10c: {  	[sflag:s7] =	ssyncset.done $0x0  }
0x10d: {  	s6 =	rddreg [dreg:$0x9];
	[sflag:s7] =	ssyncadd.s32 $0xFFFFC400  }
0x10e: {  	[spmem:s1] =	stream.indirect.scatter.add.f32 [tilespmem:s30], [sflag:$0xC], $0x80, s6, s20, $0xb8;
	[tilespmem:$0x1F600] =	vst v63  }
0x10f: {  	_ =	swait.ge [sflag:s8], $0x3C00  }
0x110: {  	[sflag:s8] =	ssyncset.done $0x0  }
0x111: {  	[sflag:s8] =	ssyncadd.s32 $0xFFFFC400  }
0x112: {  	_ =	swait.ge [sflag:s10], $0x3C00  }
0x113: {  	[sflag:s10] =	ssyncset.done $0x0  }
0x114: {  	[sflag:s10] =	ssyncadd.s32 $0xFFFFC400  }
0x115: {  	[bflag:$0x0] =	sbarrier.arrive $0xFFFF  }
0x116: {  	s13 =	rddreg [dreg:$0x11]  }
0x117: {  	s14 =	rddreg [dreg:$0xf]  }
0x118: {  	s15 =	simm.s32 $0xE;
	s5 =	sor.u32 $0x1C0E, s13;
	s13 =	rddreg [dreg:$0x13]  }
0x119: {  	[hbm:s14], [sflag:s5] =	dma.local [spmem:s13], $0x2780  }
0x11a: {  	_ =	swait.ge [sflag:s15], $0x2780  }
0x11b: {  	s19 =	rddreg [dreg:$0x14]  }
0x11c: {  	s22 =	rddreg [dreg:$0x10];
	s14 =	sadd.s32 $0x1, s19  }
0x11d: {  	p0 =	sne.s32 s14, s22  }
.Ltmp1:
0x11e: {  	_ = 	snop;
	(pc) =	sbr.rel @p0 .LBB2_1-.Ltmp1, $3  }
0x11f: {  	_ =	sdelay $0x1  }
0x120: {  	[sflag:s15] =	ssyncset.done $0x0  }
0x121: {  	[sflag:s15] =	ssyncadd.s32 $0xFFFFD880  }
0x122: {  	_ =	sfence.sel $0x180000  }
0x123: {  	[bflag:$0x0] =	sbarrier.arrive $0xFFFF  }
0x124: {  	_ =	strace $0x90000047  }
0x125: {  	s0 =	stileid.u32;
	[bflag:$0x2] =	sbarrier.arrive $0xFFFF  }
0x126: {  	p0 =	sne.s32 s0, $0x0;
	s0 =	rddreg [dreg:$0x3]  }
0x127: {  	s0 =	sadd.s32 @!p0 $0x100000, s0  }
0x128: {  	[sflag:s0] =	ssyncadd.tile.s32 @!p0 $0x1;
	_ =	shalt  }
.Lfunc_end2:
_tile_overlayer_lowered:
.L_overlay_start_2:
0x129: {  	(tag) =	ssettag $0x2  }
0x12a: {  	s0 =	rddreg [dreg:$0x0];
	s2 =	stileid.u32  }
0x12b: {  	s1 =	rddreg [dreg:$0x1];
	p0 =	sne.s32 s2, $0x0  }
0x12c: {  	s3 =	rddreg [dreg:$0x2];
	[bflag:$0x3] =	sbarrier.arrive $0xFFFF;
	s2 =	simm.s32 @!p0 $0x1C0E  }
0x12d: {  	[timem:s3], [sflag:s2] =	dma.local @!p0 [hbm:s0], s1  }
0x12e: {  	s0 =	simm.s32 @!p0 $0xE  }
0x12f: {  	_ =	swait.ge @!p0 [sflag:s0], s1  }
0x130: {  	s1 =	ssub.s32 @!p0 $0x0, s1;
	[sflag:s0] =	ssyncset.done @!p0 $0x0  }
0x131: {  	[sflag:s0] =	ssyncadd.s32 @!p0 s1  }
0x132: {  	[bflag:$0x3] =	sbarrier.arrive $0xFFFF  }
0x133: {  	_ =	shalt  }

</sc_bundles>
